<compile_context>
chip_gen: v7x
topology: tpu7x:2x2x1
jax: 0.10.2.dev20260603
libtpu: 0.0.44.dev20260713+nightly
codegen_flags: <defaults>
</compile_context>

<pallas_src>
import functools

import jax
import jax.numpy as jnp
from jax import lax
from jax.experimental import pallas as pl
from jax.experimental.pallas import tpu as pltpu
from jax.experimental.pallas import tpu_sc as plsc

EPS = 1e-07
_NC = 2
_NS = 16
_LANES = 16
_NW = _NC * _NS
_N = 32 * 512 * 512
_PER_W = _N // _NW
_ROWS = 32
_CHUNK = _ROWS * 512
_NCHUNK = _PER_W // _CHUNK
_VECS = _CHUNK // _LANES
_HCOLS = 512
_HREP = 1
_GT_THRESH = 0.501960813999176


def _hist_body(pr_hbm, gt_hbm, out_hbm, pr_buf, gt_buf, hist, sem0, sem1):
    wid = lax.axis_index("s") * _NC + lax.axis_index("c")
    sems = (sem0, sem1)

    def zbody(i, _):
        hist[pl.ds(i * _LANES, _LANES)] = jnp.zeros((_LANES,), jnp.float32)
        return 0
    lax.fori_loop(0, _HREP * _LANES * _HCOLS // _LANES, zbody, 0)

    def copies(c, b):
        rows = pl.ds(c * _ROWS, _ROWS)
        return (
            pltpu.make_async_copy(
                pr_hbm.at[wid, 0, rows, :], pr_buf.at[b], sems[b]),
            pltpu.make_async_copy(
                gt_hbm.at[wid, 0, rows, :], gt_buf.at[b], sems[b]),
        )

    addr_base = lax.broadcasted_iota(jnp.int32, (_LANES,), 0) * _HCOLS + 254
    ones = jnp.ones((_LANES,), jnp.float32)

    for c0 in range(2):
        for cp in copies(c0, c0):
            cp.start()

    @pl.loop(0, _NCHUNK, step=2)
    def chunk_loop(c):
        for b in range(2):
            cc = c + b
            for cp in copies(cc, b):
                cp.wait()

            @plsc.parallel_loop(0, _VECS, unroll=16)
            def body(i, b=b):
                r = i // (512 // _LANES)
                cv = (i % (512 // _LANES)) * _LANES
                x = pr_buf[b, r, pl.ds(cv, _LANES)]
                g = gt_buf[b, r, pl.ds(cv, _LANES)]
                pr255 = 255.0 / (1.0 + jnp.exp(-x))
                bin_i = jnp.clip(pr255.astype(jnp.int32), 0, 254)
                pos = g > _GT_THRESH
                rep = (i % _HREP) * (_LANES * _HCOLS)
                hidx = (addr_base - bin_i) + jnp.where(pos, rep, rep + 256)
                plsc.addupdate_scatter(hist, [hidx], ones)

            @pl.when(cc + 2 < _NCHUNK)
            def _prefetch(cc=cc, b=b):
                for cp in copies(cc + 2, b):
                    cp.start()

    pltpu.sync_copy(hist, out_hbm.at[wid])


_hist_call = functools.partial(
    pl.kernel,
    out_type=jax.ShapeDtypeStruct((_NW, _HREP * _LANES * _HCOLS), jnp.float32),
    mesh=plsc.VectorSubcoreMesh(core_axis_name="c", subcore_axis_name="s"),
    compiler_params=pltpu.CompilerParams(needs_layout_passes=False),
    scratch_types=[
        pltpu.VMEM((2, _ROWS, 512), jnp.float32),
        pltpu.VMEM((2, _ROWS, 512), jnp.float32),
        pltpu.VMEM((_HREP * _LANES * _HCOLS,), jnp.float32),
        pltpu.SemaphoreType.DMA,
        pltpu.SemaphoreType.DMA,
    ],
)(_hist_body)


def _aiu_body(parts_ref, out_ref):
    hsum = jnp.sum(parts_ref[...], axis=0)
    pp = hsum[0:255]
    nn = hsum[256:511]
    gt_num = jnp.sum(pp)

    def cum(x):
        for k in (1, 2, 4, 8, 16, 32, 64, 128):
            x = x + jnp.concatenate([jnp.zeros((k,), jnp.float32), x[:-k]])
        return x

    ppc = cum(pp)
    nnc = cum(nn)
    denom = gt_num + nnc + EPS
    out_ref[...] = jnp.where(gt_num == 0.0, ppc + EPS / denom, ppc / denom)


def kernel(y_pr, y_gt):
    parts = _hist_call(y_pr, y_gt)
    return pl.pallas_call(
        _aiu_body,
        out_shape=jax.ShapeDtypeStruct((255,), jnp.float32),
    )(parts.reshape(_NW * _HREP * _LANES, _HCOLS))

# --- scband reference (transcript-rebuilt; emitter-appended) ---
"""Pipeline reference for scband-aiu-32109175505122 (READ-ONLY COPY).

The authoritative reference and input builder live on the scoring server;
editing this copy changes nothing except your own understanding.
"""

import jax, jax.numpy as jnp
import numpy as np

EPS = 1e-07


def setup_inputs(seed: int = 0) -> dict:
    key = jax.random.key(seed)
    k1, k2 = jax.random.split(key)
    y_pr = jax.random.normal(k1, (32, 1, 512, 512), dtype=jnp.float32)
    y_gt = jax.random.uniform(k2, (32, 1, 512, 512), dtype=jnp.float32)
    return {"y_pr": y_pr, "y_gt": y_gt}


def _hist255(values_flat, weights_flat):
    # torch.histc(x, bins=255, min=0, max=255): bin width 1.0, floor binning,
    # rightmost edge inclusive. values here are sigmoid(x)*255 in (0, 255),
    # so clipping the bin index to [0, 254] is exact.
    idx = jnp.clip(jnp.floor(values_flat).astype(jnp.int32), 0, 254)
    return jax.ops.segment_sum(weights_flat, idx, num_segments=255)


def reference(y_pr, y_gt):
    # from_logits=True: F.logsigmoid(x).exp() == sigmoid(x)
    pr = jax.nn.sigmoid(y_pr)
    gt = y_gt * 255.0
    pr = pr * 255.0

    pos_mask = gt > 128.0
    gt_num = jnp.sum(pos_mask).astype(jnp.float32)

    prf = pr.ravel()
    w_pos = pos_mask.astype(jnp.float32).ravel()
    w_neg = 1.0 - w_pos

    # pp = pr[gt > 128]; nn = pr[gt <= 128] -> weighted histograms over all pr
    pp_hist = _hist255(prf, w_pos)
    nn_hist = _hist255(prf, w_neg)

    pp_hist_cum = jnp.cumsum(jnp.flip(pp_hist, axis=0))
    nn_hist_cum = jnp.cumsum(jnp.flip(nn_hist, axis=0))

    aiu = jnp.where(
        gt_num == 0,
        pp_hist_cum + EPS / (gt_num + nn_hist_cum + EPS),
        pp_hist_cum / (gt_num + nn_hist_cum + EPS),
    )
    return aiu

if __name__ == "__main__":
    import jax
    _d = setup_inputs()
    print(jax.jit(kernel)(*tuple(_d.values())))

</pallas_src>

<mosaic_0001>
#map = affine_map<(d0, d1) -> (0, 0, 0, 0)>
#map1 = affine_map<(d0, d1) -> (0, 0)>
module attributes {stable_mosaic.version = 14 : i64} {
  func.func @_hist_body(%arg0: i32, %arg1: i32, %arg2: memref<32x1x512x512xf32, #tpu.memory_space<hbm>>, %arg3: memref<32x1x512x512xf32, #tpu.memory_space<hbm>>, %arg4: memref<32x8192xf32, #tpu.memory_space<hbm>>, %arg5: memref<2x32x512xf32, #tpu.memory_space<vmem>>, %arg6: memref<2x32x512xf32, #tpu.memory_space<vmem>>, %arg7: memref<8192xf32, #tpu.memory_space<vmem>>, %arg8: memref<!tpu.dma_semaphore, #tpu.memory_space<semaphore_mem>>, %arg9: memref<!tpu.dma_semaphore, #tpu.memory_space<semaphore_mem>>) attributes {dimension_semantics = [#tpu.dimension_semantics<core_parallel>, #tpu.dimension_semantics<subcore_parallel>], iteration_bounds = array<i64: 2, 16>, scalar_prefetch = 0 : i64, scratch_operands = 5 : i64, tpu.core_type = #tpu.core_type<sc_vector_subcore>, window_params = [{transform_indices = #map}, {transform_indices = #map}, {transform_indices = #map1}]} {
    %mul3A = arith.constant 2 : i32
    %mul3A_0 = arith.muli %arg1, %mul3A : i32
    %add3A = arith.addi %mul3A_0, %arg0 : i32
    %scan3A = arith.constant 0 : i32
    %scan3A_1 = arith.constant 0 : i32
    %scan3A_2 = arith.constant 512 : i32
    %scan3A_3 = arith.addi %scan3A_1, %scan3A_2 : i32
    %scan3A_4 = arith.constant 1 : i32
    %scan3A_5 = scf.for %scan3A_90 = %scan3A_1 to %scan3A_3 step %scan3A_4 iter_args(%scan3A_91 = %scan3A) -> (i32)  : i32 {
      %broadcast_in_dim3A_92 = arith.constant 0.000000e+00 : f32
      %broadcast_in_dim3A_93 = vector.broadcast %broadcast_in_dim3A_92 : f32 to vector<16xf32>
      %mul3A_94 = arith.constant 16 : i32
      %mul3A_95 = arith.muli %scan3A_90, %mul3A_94 : i32
      %swap3A = arith.index_cast %mul3A_95 : i32 to index
      %swap3A_96 = tpu.vector_load %arg7[%swap3A] {strides = array<i32>} : memref<8192xf32, #tpu.memory_space<vmem>>, vector<16xf32>,
      tpu.vector_store %arg7[%swap3A], %broadcast_in_dim3A_93 {strides = array<i32>} : memref<8192xf32, #tpu.memory_space<vmem>>, vector<16xf32>,
      %scan3A_97 = arith.constant 0 : i32
      scf.yield %scan3A_97 : i32
    }
    %scan3A_6 = arith.constant 512 : i32
    %iota3A = tpu.iota {dimensions = array<i32: 0>} : vector<16xi32>
    %mul3A_7 = arith.constant 512 : i32
    %mul3A_8 = vector.broadcast %mul3A_7 : i32 to vector<16xi32>
    %mul3A_9 = arith.muli %iota3A, %mul3A_8 : vector<16xi32>
    %add3A_10 = arith.constant 254 : i32
    %add3A_11 = vector.broadcast %add3A_10 : i32 to vector<16xi32>
    %add3A_12 = arith.addi %mul3A_9, %add3A_11 : vector<16xi32>
    %broadcast_in_dim3A = arith.constant 1.000000e+00 : f32
    %broadcast_in_dim3A_13 = vector.broadcast %broadcast_in_dim3A : f32 to vector<16xf32>
    %dma_start3A = arith.constant 0 : i32
    %dma_start3A_14 = arith.constant 0 : i32
    %dma_start3A_15 = arith.constant 0 : i32
    %dma_start3A_16 = arith.constant 0 : i32
    %dma_start3A_17 = tpu.memref_slice %arg5[%dma_start3A_14, %dma_start3A_15, %dma_start3A_16] : memref<2x32x512xf32, #tpu.memory_space<vmem>> -> memref<1x32x512xf32, #tpu.memory_space<vmem>>
    %dma_start3A_18 = tpu.memref_squeeze %dma_start3A_17 : memref<1x32x512xf32, #tpu.memory_space<vmem>> -> memref<32x512xf32, #tpu.memory_space<vmem>>
    %dma_start3A_19 = arith.constant 0 : i32
    %dma_start3A_20 = arith.constant 0 : i32
    %dma_start3A_21 = tpu.memref_slice %arg2[%add3A, %dma_start3A, %dma_start3A_19, %dma_start3A_20] : memref<32x1x512x512xf32, #tpu.memory_space<hbm>> -> memref<1x1x32x512xf32, #tpu.memory_space<hbm>>
    %dma_start3A_22 = tpu.memref_squeeze %dma_start3A_21 : memref<1x1x32x512xf32, #tpu.memory_space<hbm>> -> memref<32x512xf32, #tpu.memory_space<hbm>>
    %dma_start3A_23 = arith.constant 0 : i32
    %dma_start3A_24 = arith.constant 0 : i32
    %dma_start3A_25 = tpu.memref_slice %arg5[%dma_start3A_14, %dma_start3A_23, %dma_start3A_24] : memref<2x32x512xf32, #tpu.memory_space<vmem>> -> memref<1x32x512xf32, #tpu.memory_space<vmem>>
    %dma_start3A_26 = tpu.memref_squeeze %dma_start3A_25 : memref<1x32x512xf32, #tpu.memory_space<vmem>> -> memref<32x512xf32, #tpu.memory_space<vmem>>
    %dma_start3A_27 = arith.constant 0 : i32
    %dma_start3A_28 = arith.constant 0 : i32
    %dma_start3A_29 = tpu.memref_slice %arg2[%add3A, %dma_start3A, %dma_start3A_27, %dma_start3A_28] : memref<32x1x512x512xf32, #tpu.memory_space<hbm>> -> memref<1x1x32x512xf32, #tpu.memory_space<hbm>>
    %dma_start3A_30 = tpu.memref_squeeze %dma_start3A_29 : memref<1x1x32x512xf32, #tpu.memory_space<hbm>> -> memref<32x512xf32, #tpu.memory_space<hbm>>
    tpu.enqueue_dma source(%dma_start3A_30 : memref<32x512xf32, #tpu.memory_space<hbm>>) target(%dma_start3A_26 : memref<32x512xf32, #tpu.memory_space<vmem>>) target_semaphore(%arg8 : memref<!tpu.dma_semaphore, #tpu.memory_space<semaphore_mem>>)
    %dma_start3A_31 = arith.constant 0 : i32
    %dma_start3A_32 = arith.constant 0 : i32
    %dma_start3A_33 = arith.constant 0 : i32
    %dma_start3A_34 = arith.constant 0 : i32
    %dma_start3A_35 = tpu.memref_slice %arg6[%dma_start3A_32, %dma_start3A_33, %dma_start3A_34] : memref<2x32x512xf32, #tpu.memory_space<vmem>> -> memref<1x32x512xf32, #tpu.memory_space<vmem>>
    %dma_start3A_36 = tpu.memref_squeeze %dma_start3A_35 : memref<1x32x512xf32, #tpu.memory_space<vmem>> -> memref<32x512xf32, #tpu.memory_space<vmem>>
    %dma_start3A_37 = arith.constant 0 : i32
    %dma_start3A_38 = arith.constant 0 : i32
    %dma_start3A_39 = tpu.memref_slice %arg3[%add3A, %dma_start3A_31, %dma_start3A_37, %dma_start3A_38] : memref<32x1x512x512xf32, #tpu.memory_space<hbm>> -> memref<1x1x32x512xf32, #tpu.memory_space<hbm>>
    %dma_start3A_40 = tpu.memref_squeeze %dma_start3A_39 : memref<1x1x32x512xf32, #tpu.memory_space<hbm>> -> memref<32x512xf32, #tpu.memory_space<hbm>>
    %dma_start3A_41 = arith.constant 0 : i32
    %dma_start3A_42 = arith.constant 0 : i32
    %dma_start3A_43 = tpu.memref_slice %arg6[%dma_start3A_32, %dma_start3A_41, %dma_start3A_42] : memref<2x32x512xf32, #tpu.memory_space<vmem>> -> memref<1x32x512xf32, #tpu.memory_space<vmem>>
    %dma_start3A_44 = tpu.memref_squeeze %dma_start3A_43 : memref<1x32x512xf32, #tpu.memory_space<vmem>> -> memref<32x512xf32, #tpu.memory_space<vmem>>
    %dma_start3A_45 = arith.constant 0 : i32
    %dma_start3A_46 = arith.constant 0 : i32
    %dma_start3A_47 = tpu.memref_slice %arg3[%add3A, %dma_start3A_31, %dma_start3A_45, %dma_start3A_46] : memref<32x1x512x512xf32, #tpu.memory_space<hbm>> -> memref<1x1x32x512xf32, #tpu.memory_space<hbm>>
    %dma_start3A_48 = tpu.memref_squeeze %dma_start3A_47 : memref<1x1x32x512xf32, #tpu.memory_space<hbm>> -> memref<32x512xf32, #tpu.memory_space<hbm>>
    tpu.enqueue_dma source(%dma_start3A_48 : memref<32x512xf32, #tpu.memory_space<hbm>>) target(%dma_start3A_44 : memref<32x512xf32, #tpu.memory_space<vmem>>) target_semaphore(%arg8 : memref<!tpu.dma_semaphore, #tpu.memory_space<semaphore_mem>>)
    %dma_start3A_49 = arith.constant 0 : i32
    %dma_start3A_50 = arith.constant 1 : i32
    %dma_start3A_51 = arith.constant 0 : i32
    %dma_start3A_52 = arith.constant 0 : i32
    %dma_start3A_53 = tpu.memref_slice %arg5[%dma_start3A_50, %dma_start3A_51, %dma_start3A_52] : memref<2x32x512xf32, #tpu.memory_space<vmem>> -> memref<1x32x512xf32, #tpu.memory_space<vmem>>
    %dma_start3A_54 = tpu.memref_squeeze %dma_start3A_53 : memref<1x32x512xf32, #tpu.memory_space<vmem>> -> memref<32x512xf32, #tpu.memory_space<vmem>>
    %dma_start3A_55 = arith.constant 32 : i32
    %dma_start3A_56 = arith.constant 0 : i32
    %dma_start3A_57 = tpu.memref_slice %arg2[%add3A, %dma_start3A_49, %dma_start3A_55, %dma_start3A_56] : memref<32x1x512x512xf32, #tpu.memory_space<hbm>> -> memref<1x1x32x512xf32, #tpu.memory_space<hbm>>
    %dma_start3A_58 = tpu.memref_squeeze %dma_start3A_57 : memref<1x1x32x512xf32, #tpu.memory_space<hbm>> -> memref<32x512xf32, #tpu.memory_space<hbm>>
    %dma_start3A_59 = arith.constant 0 : i32
    %dma_start3A_60 = arith.constant 0 : i32
    %dma_start3A_61 = tpu.memref_slice %arg5[%dma_start3A_50, %dma_start3A_59, %dma_start3A_60] : memref<2x32x512xf32, #tpu.memory_space<vmem>> -> memref<1x32x512xf32, #tpu.memory_space<vmem>>
    %dma_start3A_62 = tpu.memref_squeeze %dma_start3A_61 : memref<1x32x512xf32, #tpu.memory_space<vmem>> -> memref<32x512xf32, #tpu.memory_space<vmem>>
    %dma_start3A_63 = arith.constant 32 : i32
    %dma_start3A_64 = arith.constant 0 : i32
    %dma_start3A_65 = tpu.memref_slice %arg2[%add3A, %dma_start3A_49, %dma_start3A_63, %dma_start3A_64] : memref<32x1x512x512xf32, #tpu.memory_space<hbm>> -> memref<1x1x32x512xf32, #tpu.memory_space<hbm>>
    %dma_start3A_66 = tpu.memref_squeeze %dma_start3A_65 : memref<1x1x32x512xf32, #tpu.memory_space<hbm>> -> memref<32x512xf32, #tpu.memory_space<hbm>>
    tpu.enqueue_dma source(%dma_start3A_66 : memref<32x512xf32, #tpu.memory_space<hbm>>) target(%dma_start3A_62 : memref<32x512xf32, #tpu.memory_space<vmem>>) target_semaphore(%arg9 : memref<!tpu.dma_semaphore, #tpu.memory_space<semaphore_mem>>)
    %dma_start3A_67 = arith.constant 0 : i32
    %dma_start3A_68 = arith.constant 1 : i32
    %dma_start3A_69 = arith.constant 0 : i32
    %dma_start3A_70 = arith.constant 0 : i32
    %dma_start3A_71 = tpu.memref_slice %arg6[%dma_start3A_68, %dma_start3A_69, %dma_start3A_70] : memref<2x32x512xf32, #tpu.memory_space<vmem>> -> memref<1x32x512xf32, #tpu.memory_space<vmem>>
    %dma_start3A_72 = tpu.memref_squeeze %dma_start3A_71 : memref<1x32x512xf32, #tpu.memory_space<vmem>> -> memref<32x512xf32, #tpu.memory_space<vmem>>
    %dma_start3A_73 = arith.constant 32 : i32
    %dma_start3A_74 = arith.constant 0 : i32
    %dma_start3A_75 = tpu.memref_slice %arg3[%add3A, %dma_start3A_67, %dma_start3A_73, %dma_start3A_74] : memref<32x1x512x512xf32, #tpu.memory_space<hbm>> -> memref<1x1x32x512xf32, #tpu.memory_space<hbm>>
    %dma_start3A_76 = tpu.memref_squeeze %dma_start3A_75 : memref<1x1x32x512xf32, #tpu.memory_space<hbm>> -> memref<32x512xf32, #tpu.memory_space<hbm>>
    %dma_start3A_77 = arith.constant 0 : i32
    %dma_start3A_78 = arith.constant 0 : i32
    %dma_start3A_79 = tpu.memref_slice %arg6[%dma_start3A_68, %dma_start3A_77, %dma_start3A_78] : memref<2x32x512xf32, #tpu.memory_space<vmem>> -> memref<1x32x512xf32, #tpu.memory_space<vmem>>
    %dma_start3A_80 = tpu.memref_squeeze %dma_start3A_79 : memref<1x32x512xf32, #tpu.memory_space<vmem>> -> memref<32x512xf32, #tpu.memory_space<vmem>>
    %dma_start3A_81 = arith.constant 32 : i32
    %dma_start3A_82 = arith.constant 0 : i32
    %dma_start3A_83 = tpu.memref_slice %arg3[%add3A, %dma_start3A_67, %dma_start3A_81, %dma_start3A_82] : memref<32x1x512x512xf32, #tpu.memory_space<hbm>> -> memref<1x1x32x512xf32, #tpu.memory_space<hbm>>
    %dma_start3A_84 = tpu.memref_squeeze %dma_start3A_83 : memref<1x1x32x512xf32, #tpu.memory_space<hbm>> -> memref<32x512xf32, #tpu.memory_space<hbm>>
    tpu.enqueue_dma source(%dma_start3A_84 : memref<32x512xf32, #tpu.memory_space<hbm>>) target(%dma_start3A_80 : memref<32x512xf32, #tpu.memory_space<vmem>>) target_semaphore(%arg9 : memref<!tpu.dma_semaphore, #tpu.memory_space<semaphore_mem>>)
    %scan3A_85 = arith.constant 0 : i32
    %scan3A_86 = arith.constant 8 : i32
    %scan3A_87 = arith.addi %scan3A_85, %scan3A_86 : i32
    %scan3A_88 = arith.constant 1 : i32
    scf.for %scan3A_90 = %scan3A_85 to %scan3A_87 step %scan3A_88  : i32 {
      %mul3A_91 = arith.constant 2 : i32
      %mul3A_92 = arith.muli %scan3A_90, %mul3A_91 : i32
      %add3A_93 = arith.constant 0 : i32
      %add3A_94 = arith.addi %add3A_93, %mul3A_92 : i32
      %add3A_95 = arith.constant 0 : i32
      %add3A_96 = arith.addi %add3A_94, %add3A_95 : i32
      %mul3A_97 = arith.constant 32 : i32
      %mul3A_98 = arith.muli %add3A_96, %mul3A_97 : i32
      %dma_wait3A = arith.constant 0 : i32
      %dma_wait3A_99 = arith.constant 0 : i32
      %dma_wait3A_100 = arith.constant 0 : i32
      %dma_wait3A_101 = arith.constant 0 : i32
      %dma_wait3A_102 = tpu.memref_slice %arg5[%dma_wait3A_99, %dma_wait3A_100, %dma_wait3A_101] : memref<2x32x512xf32, #tpu.memory_space<vmem>> -> memref<1x32x512xf32, #tpu.memory_space<vmem>>
      %dma_wait3A_103 = tpu.memref_squeeze %dma_wait3A_102 : memref<1x32x512xf32, #tpu.memory_space<vmem>> -> memref<32x512xf32, #tpu.memory_space<vmem>>
      %dma_wait3A_104 = arith.constant 0 : i32
      %dma_wait3A_105 = tpu.memref_slice %arg2[%add3A, %dma_wait3A, %mul3A_98, %dma_wait3A_104] : memref<32x1x512x512xf32, #tpu.memory_space<hbm>> -> memref<1x1x32x512xf32, #tpu.memory_space<hbm>>
      %dma_wait3A_106 = tpu.memref_squeeze %dma_wait3A_105 : memref<1x1x32x512xf32, #tpu.memory_space<hbm>> -> memref<32x512xf32, #tpu.memory_space<hbm>>
      %dma_wait3A_107 = arith.constant 0 : i32
      %dma_wait3A_108 = arith.constant 0 : i32
      %dma_wait3A_109 = tpu.memref_slice %arg5[%dma_wait3A_99, %dma_wait3A_107, %dma_wait3A_108] : memref<2x32x512xf32, #tpu.memory_space<vmem>> -> memref<1x32x512xf32, #tpu.memory_space<vmem>>
      %dma_wait3A_110 = tpu.memref_squeeze %dma_wait3A_109 : memref<1x32x512xf32, #tpu.memory_space<vmem>> -> memref<32x512xf32, #tpu.memory_space<vmem>>
      %dma_wait3A_111 = arith.constant 0 : i32
      %dma_wait3A_112 = tpu.memref_slice %arg2[%add3A, %dma_wait3A, %mul3A_98, %dma_wait3A_111] : memref<32x1x512x512xf32, #tpu.memory_space<hbm>> -> memref<1x1x32x512xf32, #tpu.memory_space<hbm>>
      %dma_wait3A_113 = tpu.memref_squeeze %dma_wait3A_112 : memref<1x1x32x512xf32, #tpu.memory_space<hbm>> -> memref<32x512xf32, #tpu.memory_space<hbm>>
      tpu.wait_dma2 semaphore(%arg8 : memref<!tpu.dma_semaphore, #tpu.memory_space<semaphore_mem>>) src(%dma_wait3A_113 : memref<32x512xf32, #tpu.memory_space<hbm>>) dst(%dma_wait3A_110 : memref<32x512xf32, #tpu.memory_space<vmem>>)
      %dma_wait3A_114 = arith.constant 0 : i32
      %dma_wait3A_115 = arith.constant 0 : i32
      %dma_wait3A_116 = arith.constant 0 : i32
      %dma_wait3A_117 = arith.constant 0 : i32
      %dma_wait3A_118 = tpu.memref_slice %arg6[%dma_wait3A_115, %dma_wait3A_116, %dma_wait3A_117] : memref<2x32x512xf32, #tpu.memory_space<vmem>> -> memref<1x32x512xf32, #tpu.memory_space<vmem>>
      %dma_wait3A_119 = tpu.memref_squeeze %dma_wait3A_118 : memref<1x32x512xf32, #tpu.memory_space<vmem>> -> memref<32x512xf32, #tpu.memory_space<vmem>>
      %dma_wait3A_120 = arith.constant 0 : i32
      %dma_wait3A_121 = tpu.memref_slice %arg3[%add3A, %dma_wait3A_114, %mul3A_98, %dma_wait3A_120] : memref<32x1x512x512xf32, #tpu.memory_space<hbm>> -> memref<1x1x32x512xf32, #tpu.memory_space<hbm>>
      %dma_wait3A_122 = tpu.memref_squeeze %dma_wait3A_121 : memref<1x1x32x512xf32, #tpu.memory_space<hbm>> -> memref<32x512xf32, #tpu.memory_space<hbm>>
      %dma_wait3A_123 = arith.constant 0 : i32
      %dma_wait3A_124 = arith.constant 0 : i32
      %dma_wait3A_125 = tpu.memref_slice %arg6[%dma_wait3A_115, %dma_wait3A_123, %dma_wait3A_124] : memref<2x32x512xf32, #tpu.memory_space<vmem>> -> memref<1x32x512xf32, #tpu.memory_space<vmem>>
      %dma_wait3A_126 = tpu.memref_squeeze %dma_wait3A_125 : memref<1x32x512xf32, #tpu.memory_space<vmem>> -> memref<32x512xf32, #tpu.memory_space<vmem>>
      %dma_wait3A_127 = arith.constant 0 : i32
      %dma_wait3A_128 = tpu.memref_slice %arg3[%add3A, %dma_wait3A_114, %mul3A_98, %dma_wait3A_127] : memref<32x1x512x512xf32, #tpu.memory_space<hbm>> -> memref<1x1x32x512xf32, #tpu.memory_space<hbm>>
      %dma_wait3A_129 = tpu.memref_squeeze %dma_wait3A_128 : memref<1x1x32x512xf32, #tpu.memory_space<hbm>> -> memref<32x512xf32, #tpu.memory_space<hbm>>
      tpu.wait_dma2 semaphore(%arg8 : memref<!tpu.dma_semaphore, #tpu.memory_space<semaphore_mem>>) src(%dma_wait3A_129 : memref<32x512xf32, #tpu.memory_space<hbm>>) dst(%dma_wait3A_126 : memref<32x512xf32, #tpu.memory_space<vmem>>)
      %parallel_loop3A = arith.constant 0 : i32
      %parallel_loop3A_130 = arith.constant 1024 : i32
      %parallel_loop3A_131 = arith.constant 1 : i32
      scf.for %parallel_loop3A_182 = %parallel_loop3A to %parallel_loop3A_130 step %parallel_loop3A_131  : i32 {
        %parallel_loop3A_183 = arith.constant 32 : i32
        %parallel_loop3A_184 = arith.divsi %parallel_loop3A_182, %parallel_loop3A_183 : i32
        %parallel_loop3A_185 = arith.constant 0 : i32
        %parallel_loop3A_186 = arith.cmpi sgt, %parallel_loop3A_182, %parallel_loop3A_185 : i32
        %parallel_loop3A_187 = arith.extui %parallel_loop3A_186 : i1 to i32
        %parallel_loop3A_188 = arith.constant 0 : i32
        %parallel_loop3A_189 = arith.cmpi slt, %parallel_loop3A_182, %parallel_loop3A_188 : i32
        %parallel_loop3A_190 = arith.extui %parallel_loop3A_189 : i1 to i32
        %parallel_loop3A_191 = arith.subi %parallel_loop3A_187, %parallel_loop3A_190 : i32
        %parallel_loop3A_192 = arith.constant 0 : i32
        %parallel_loop3A_193 = arith.cmpi sgt, %parallel_loop3A_183, %parallel_loop3A_192 : i32
        %parallel_loop3A_194 = arith.extui %parallel_loop3A_193 : i1 to i32
        %parallel_loop3A_195 = arith.constant 0 : i32
        %parallel_loop3A_196 = arith.cmpi slt, %parallel_loop3A_183, %parallel_loop3A_195 : i32
        %parallel_loop3A_197 = arith.extui %parallel_loop3A_196 : i1 to i32
        %parallel_loop3A_198 = arith.subi %parallel_loop3A_194, %parallel_loop3A_197 : i32
        %parallel_loop3A_199 = arith.cmpi ne, %parallel_loop3A_191, %parallel_loop3A_198 : i32
        %parallel_loop3A_200 = arith.remsi %parallel_loop3A_182, %parallel_loop3A_183 : i32
        %parallel_loop3A_201 = arith.constant 0 : i32
        %parallel_loop3A_202 = arith.cmpi ne, %parallel_loop3A_200, %parallel_loop3A_201 : i32
        %parallel_loop3A_203 = arith.andi %parallel_loop3A_199, %parallel_loop3A_202 : i1
        %parallel_loop3A_204 = arith.constant 1 : i32
        %parallel_loop3A_205 = arith.subi %parallel_loop3A_184, %parallel_loop3A_204 : i32
        %parallel_loop3A_206 = arith.select %parallel_loop3A_203, %parallel_loop3A_205, %parallel_loop3A_184 : i32
        %parallel_loop3A_207 = arith.constant 32 : i32
        %parallel_loop3A_208 = arith.constant 0 : i32
        %parallel_loop3A_209 = arith.cmpi eq, %parallel_loop3A_207, %parallel_loop3A_208 : i32
        %parallel_loop3A_210 = arith.constant 1 : i32
        %parallel_loop3A_211 = arith.select %parallel_loop3A_209, %parallel_loop3A_210, %parallel_loop3A_207 : i32
        %parallel_loop3A_212 = arith.remsi %parallel_loop3A_182, %parallel_loop3A_211 : i32
        %parallel_loop3A_213 = arith.constant 0 : i32
        %parallel_loop3A_214 = arith.cmpi ne, %parallel_loop3A_212, %parallel_loop3A_213 : i32
        %parallel_loop3A_215 = arith.constant 0 : i32
        %parallel_loop3A_216 = arith.cmpi slt, %parallel_loop3A_212, %parallel_loop3A_215 : i32
        %parallel_loop3A_217 = arith.constant 0 : i32
        %parallel_loop3A_218 = arith.cmpi slt, %parallel_loop3A_211, %parallel_loop3A_217 : i32
        %parallel_loop3A_219 = arith.xori %parallel_loop3A_216, %parallel_loop3A_218 : i1
        %parallel_loop3A_220 = arith.andi %parallel_loop3A_219, %parallel_loop3A_214 : i1
        %parallel_loop3A_221 = arith.addi %parallel_loop3A_212, %parallel_loop3A_211 : i32
        %parallel_loop3A_222 = arith.select %parallel_loop3A_220, %parallel_loop3A_221, %parallel_loop3A_212 : i32
        %parallel_loop3A_223 = arith.constant 16 : i32
        %parallel_loop3A_224 = arith.muli %parallel_loop3A_222, %parallel_loop3A_223 : i32
        %parallel_loop3A_225 = arith.constant 0 : i32
        %parallel_loop3A_226 = arith.index_cast %parallel_loop3A_225 : i32 to index
        %parallel_loop3A_227 = arith.index_cast %parallel_loop3A_206 : i32 to index
        %parallel_loop3A_228 = arith.index_cast %parallel_loop3A_224 : i32 to index
        %parallel_loop3A_229 = tpu.vector_load %arg5[%parallel_loop3A_226, %parallel_loop3A_227, %parallel_loop3A_228] {strides = array<i32>} : memref<2x32x512xf32, #tpu.memory_space<vmem>>, vector<16xf32>,
        %parallel_loop3A_230 = arith.constant 0 : i32
        %parallel_loop3A_231 = arith.index_cast %parallel_loop3A_230 : i32 to index
        %parallel_loop3A_232 = arith.index_cast %parallel_loop3A_206 : i32 to index
        %parallel_loop3A_233 = arith.index_cast %parallel_loop3A_224 : i32 to index
        %parallel_loop3A_234 = tpu.vector_load %arg6[%parallel_loop3A_231, %parallel_loop3A_232, %parallel_loop3A_233] {strides = array<i32>} : memref<2x32x512xf32, #tpu.memory_space<vmem>>, vector<16xf32>,
        %parallel_loop3A_235 = arith.constant 0.000000e+00 : f32
        %parallel_loop3A_236 = vector.broadcast %parallel_loop3A_235 : f32 to vector<16xf32>
        %parallel_loop3A_237 = arith.subf %parallel_loop3A_236, %parallel_loop3A_229 : vector<16xf32>
        %parallel_loop3A_238 = math.exp %parallel_loop3A_237 : vector<16xf32>
        %parallel_loop3A_239 = arith.constant 1.000000e+00 : f32
        %parallel_loop3A_240 = vector.broadcast %parallel_loop3A_239 : f32 to vector<16xf32>
        %parallel_loop3A_241 = arith.addf %parallel_loop3A_240, %parallel_loop3A_238 : vector<16xf32>
        %parallel_loop3A_242 = arith.constant 2.550000e+02 : f32
        %parallel_loop3A_243 = vector.broadcast %parallel_loop3A_242 : f32 to vector<16xf32>
        %parallel_loop3A_244 = arith.divf %parallel_loop3A_243, %parallel_loop3A_241 : vector<16xf32>
        %parallel_loop3A_245 = arith.fptosi %parallel_loop3A_244 : vector<16xf32> to vector<16xi32>
        %parallel_loop3A_246 = arith.constant 0 : i32
        %parallel_loop3A_247 = arith.constant 254 : i32
        %parallel_loop3A_248 = vector.broadcast %parallel_loop3A_246 : i32 to vector<16xi32>
        %parallel_loop3A_249 = arith.maxsi %parallel_loop3A_248, %parallel_loop3A_245 : vector<16xi32>
        %parallel_loop3A_250 = vector.broadcast %parallel_loop3A_247 : i32 to vector<16xi32>
        %parallel_loop3A_251 = arith.minsi %parallel_loop3A_250, %parallel_loop3A_249 : vector<16xi32>
        %parallel_loop3A_252 = arith.constant 0.501960814 : f32
        %parallel_loop3A_253 = vector.broadcast %parallel_loop3A_252 : f32 to vector<16xf32>
        %parallel_loop3A_254 = arith.cmpf ogt, %parallel_loop3A_234, %parallel_loop3A_253 : vector<16xf32>
        %parallel_loop3A_255 = arith.constant 1 : i32
        %parallel_loop3A_256 = arith.constant 0 : i32
        %parallel_loop3A_257 = arith.cmpi eq, %parallel_loop3A_255, %parallel_loop3A_256 : i32
        %parallel_loop3A_258 = arith.constant 1 : i32
        %parallel_loop3A_259 = arith.select %parallel_loop3A_257, %parallel_loop3A_258, %parallel_loop3A_255 : i32
        %parallel_loop3A_260 = arith.remsi %parallel_loop3A_182, %parallel_loop3A_259 : i32
        %parallel_loop3A_261 = arith.constant 0 : i32
        %parallel_loop3A_262 = arith.cmpi ne, %parallel_loop3A_260, %parallel_loop3A_261 : i32
        %parallel_loop3A_263 = arith.constant 0 : i32
        %parallel_loop3A_264 = arith.cmpi slt, %parallel_loop3A_260, %parallel_loop3A_263 : i32
        %parallel_loop3A_265 = arith.constant 0 : i32
        %parallel_loop3A_266 = arith.cmpi slt, %parallel_loop3A_259, %parallel_loop3A_265 : i32
        %parallel_loop3A_267 = arith.xori %parallel_loop3A_264, %parallel_loop3A_266 : i1
        %parallel_loop3A_268 = arith.andi %parallel_loop3A_267, %parallel_loop3A_262 : i1
        %parallel_loop3A_269 = arith.addi %parallel_loop3A_260, %parallel_loop3A_259 : i32
        %parallel_loop3A_270 = arith.select %parallel_loop3A_268, %parallel_loop3A_269, %parallel_loop3A_260 : i32
        %parallel_loop3A_271 = arith.constant 8192 : i32
        %parallel_loop3A_272 = arith.muli %parallel_loop3A_270, %parallel_loop3A_271 : i32
        %parallel_loop3A_273 = arith.subi %add3A_12, %parallel_loop3A_251 : vector<16xi32>
        %parallel_loop3A_274 = arith.constant 256 : i32
        %parallel_loop3A_275 = arith.addi %parallel_loop3A_272, %parallel_loop3A_274 : i32
        %parallel_loop3A_276 = vector.broadcast %parallel_loop3A_272 : i32 to vector<16xi32>
        %parallel_loop3A_277 = vector.broadcast %parallel_loop3A_275 : i32 to vector<16xi32>
        %parallel_loop3A_278 = arith.select %parallel_loop3A_254, %parallel_loop3A_276, %parallel_loop3A_277 : vector<16xi1>, vector<16xi32>
        %parallel_loop3A_279 = arith.addi %parallel_loop3A_273, %parallel_loop3A_278 : vector<16xi32>
        tpu.vector_store_idx %arg7[%parallel_loop3A_279], %broadcast_in_dim3A_13 {add = true} : memref<8192xf32, #tpu.memory_space<vmem>>[vector<16xi32>], vector<16xf32>,
      } {sc.loop_unroll_factor = 16 : i64, sc.parallel_access}
      %add3A_132 = arith.constant 2 : i32
      %add3A_133 = arith.addi %add3A_96, %add3A_132 : i32
      %lt3A = arith.constant 16 : i32
      %lt3A_134 = arith.cmpi slt, %add3A_133, %lt3A : i32
      %convert_element_type3A = arith.extui %lt3A_134 : i1 to i32
      %cond3A = arith.constant 0 : i32
      %cond3A_135 = arith.cmpi ne, %convert_element_type3A, %cond3A : i32
      scf.if %cond3A_135 {
        %add3A_182 = arith.constant 2 : i32
        %add3A_183 = arith.addi %add3A_96, %add3A_182 : i32
        %mul3A_184 = arith.constant 32 : i32
        %mul3A_185 = arith.muli %add3A_183, %mul3A_184 : i32
        %dma_start3A_186 = arith.constant 0 : i32
        %dma_start3A_187 = arith.constant 0 : i32
        %dma_start3A_188 = arith.constant 0 : i32
        %dma_start3A_189 = arith.constant 0 : i32
        %dma_start3A_190 = tpu.memref_slice %arg5[%dma_start3A_187, %dma_start3A_188, %dma_start3A_189] : memref<2x32x512xf32, #tpu.memory_space<vmem>> -> memref<1x32x512xf32, #tpu.memory_space<vmem>>
        %dma_start3A_191 = tpu.memref_squeeze %dma_start3A_190 : memref<1x32x512xf32, #tpu.memory_space<vmem>> -> memref<32x512xf32, #tpu.memory_space<vmem>>
        %dma_start3A_192 = arith.constant 0 : i32
        %dma_start3A_193 = tpu.memref_slice %arg2[%add3A, %dma_start3A_186, %mul3A_185, %dma_start3A_192] : memref<32x1x512x512xf32, #tpu.memory_space<hbm>> -> memref<1x1x32x512xf32, #tpu.memory_space<hbm>>
        %dma_start3A_194 = tpu.memref_squeeze %dma_start3A_193 : memref<1x1x32x512xf32, #tpu.memory_space<hbm>> -> memref<32x512xf32, #tpu.memory_space<hbm>>
        %dma_start3A_195 = arith.constant 0 : i32
        %dma_start3A_196 = arith.constant 0 : i32
        %dma_start3A_197 = tpu.memref_slice %arg5[%dma_start3A_187, %dma_start3A_195, %dma_start3A_196] : memref<2x32x512xf32, #tpu.memory_space<vmem>> -> memref<1x32x512xf32, #tpu.memory_space<vmem>>
        %dma_start3A_198 = tpu.memref_squeeze %dma_start3A_197 : memref<1x32x512xf32, #tpu.memory_space<vmem>> -> memref<32x512xf32, #tpu.memory_space<vmem>>
        %dma_start3A_199 = arith.constant 0 : i32
        %dma_start3A_200 = tpu.memref_slice %arg2[%add3A, %dma_start3A_186, %mul3A_185, %dma_start3A_199] : memref<32x1x512x512xf32, #tpu.memory_space<hbm>> -> memref<1x1x32x512xf32, #tpu.memory_space<hbm>>
        %dma_start3A_201 = tpu.memref_squeeze %dma_start3A_200 : memref<1x1x32x512xf32, #tpu.memory_space<hbm>> -> memref<32x512xf32, #tpu.memory_space<hbm>>
        tpu.enqueue_dma source(%dma_start3A_201 : memref<32x512xf32, #tpu.memory_space<hbm>>) target(%dma_start3A_198 : memref<32x512xf32, #tpu.memory_space<vmem>>) target_semaphore(%arg8 : memref<!tpu.dma_semaphore, #tpu.memory_space<semaphore_mem>>)
        %dma_start3A_202 = arith.constant 0 : i32
        %dma_start3A_203 = arith.constant 0 : i32
        %dma_start3A_204 = arith.constant 0 : i32
        %dma_start3A_205 = arith.constant 0 : i32
        %dma_start3A_206 = tpu.memref_slice %arg6[%dma_start3A_203, %dma_start3A_204, %dma_start3A_205] : memref<2x32x512xf32, #tpu.memory_space<vmem>> -> memref<1x32x512xf32, #tpu.memory_space<vmem>>
        %dma_start3A_207 = tpu.memref_squeeze %dma_start3A_206 : memref<1x32x512xf32, #tpu.memory_space<vmem>> -> memref<32x512xf32, #tpu.memory_space<vmem>>
        %dma_start3A_208 = arith.constant 0 : i32
        %dma_start3A_209 = tpu.memref_slice %arg3[%add3A, %dma_start3A_202, %mul3A_185, %dma_start3A_208] : memref<32x1x512x512xf32, #tpu.memory_space<hbm>> -> memref<1x1x32x512xf32, #tpu.memory_space<hbm>>
        %dma_start3A_210 = tpu.memref_squeeze %dma_start3A_209 : memref<1x1x32x512xf32, #tpu.memory_space<hbm>> -> memref<32x512xf32, #tpu.memory_space<hbm>>
        %dma_start3A_211 = arith.constant 0 : i32
        %dma_start3A_212 = arith.constant 0 : i32
        %dma_start3A_213 = tpu.memref_slice %arg6[%dma_start3A_203, %dma_start3A_211, %dma_start3A_212] : memref<2x32x512xf32, #tpu.memory_space<vmem>> -> memref<1x32x512xf32, #tpu.memory_space<vmem>>
        %dma_start3A_214 = tpu.memref_squeeze %dma_start3A_213 : memref<1x32x512xf32, #tpu.memory_space<vmem>> -> memref<32x512xf32, #tpu.memory_space<vmem>>
        %dma_start3A_215 = arith.constant 0 : i32
        %dma_start3A_216 = tpu.memref_slice %arg3[%add3A, %dma_start3A_202, %mul3A_185, %dma_start3A_215] : memref<32x1x512x512xf32, #tpu.memory_space<hbm>> -> memref<1x1x32x512xf32, #tpu.memory_space<hbm>>
        %dma_start3A_217 = tpu.memref_squeeze %dma_start3A_216 : memref<1x1x32x512xf32, #tpu.memory_space<hbm>> -> memref<32x512xf32, #tpu.memory_space<hbm>>
        tpu.enqueue_dma source(%dma_start3A_217 : memref<32x512xf32, #tpu.memory_space<hbm>>) target(%dma_start3A_214 : memref<32x512xf32, #tpu.memory_space<vmem>>) target_semaphore(%arg8 : memref<!tpu.dma_semaphore, #tpu.memory_space<semaphore_mem>>)
      } else {
      }
      %add3A_136 = arith.constant 1 : i32
      %add3A_137 = arith.addi %add3A_94, %add3A_136 : i32
      %mul3A_138 = arith.constant 32 : i32
      %mul3A_139 = arith.muli %add3A_137, %mul3A_138 : i32
      %dma_wait3A_140 = arith.constant 0 : i32
      %dma_wait3A_141 = arith.constant 1 : i32
      %dma_wait3A_142 = arith.constant 0 : i32
      %dma_wait3A_143 = arith.constant 0 : i32
      %dma_wait3A_144 = tpu.memref_slice %arg5[%dma_wait3A_141, %dma_wait3A_142, %dma_wait3A_143] : memref<2x32x512xf32, #tpu.memory_space<vmem>> -> memref<1x32x512xf32, #tpu.memory_space<vmem>>
      %dma_wait3A_145 = tpu.memref_squeeze %dma_wait3A_144 : memref<1x32x512xf32, #tpu.memory_space<vmem>> -> memref<32x512xf32, #tpu.memory_space<vmem>>
      %dma_wait3A_146 = arith.constant 0 : i32
      %dma_wait3A_147 = tpu.memref_slice %arg2[%add3A, %dma_wait3A_140, %mul3A_139, %dma_wait3A_146] : memref<32x1x512x512xf32, #tpu.memory_space<hbm>> -> memref<1x1x32x512xf32, #tpu.memory_space<hbm>>
      %dma_wait3A_148 = tpu.memref_squeeze %dma_wait3A_147 : memref<1x1x32x512xf32, #tpu.memory_space<hbm>> -> memref<32x512xf32, #tpu.memory_space<hbm>>
      %dma_wait3A_149 = arith.constant 0 : i32
      %dma_wait3A_150 = arith.constant 0 : i32
      %dma_wait3A_151 = tpu.memref_slice %arg5[%dma_wait3A_141, %dma_wait3A_149, %dma_wait3A_150] : memref<2x32x512xf32, #tpu.memory_space<vmem>> -> memref<1x32x512xf32, #tpu.memory_space<vmem>>
      %dma_wait3A_152 = tpu.memref_squeeze %dma_wait3A_151 : memref<1x32x512xf32, #tpu.memory_space<vmem>> -> memref<32x512xf32, #tpu.memory_space<vmem>>
      %dma_wait3A_153 = arith.constant 0 : i32
      %dma_wait3A_154 = tpu.memref_slice %arg2[%add3A, %dma_wait3A_140, %mul3A_139, %dma_wait3A_153] : memref<32x1x512x512xf32, #tpu.memory_space<hbm>> -> memref<1x1x32x512xf32, #tpu.memory_space<hbm>>
      %dma_wait3A_155 = tpu.memref_squeeze %dma_wait3A_154 : memref<1x1x32x512xf32, #tpu.memory_space<hbm>> -> memref<32x512xf32, #tpu.memory_space<hbm>>
      tpu.wait_dma2 semaphore(%arg9 : memref<!tpu.dma_semaphore, #tpu.memory_space<semaphore_mem>>) src(%dma_wait3A_155 : memref<32x512xf32, #tpu.memory_space<hbm>>) dst(%dma_wait3A_152 : memref<32x512xf32, #tpu.memory_space<vmem>>)
      %dma_wait3A_156 = arith.constant 0 : i32
      %dma_wait3A_157 = arith.constant 1 : i32
      %dma_wait3A_158 = arith.constant 0 : i32
      %dma_wait3A_159 = arith.constant 0 : i32
      %dma_wait3A_160 = tpu.memref_slice %arg6[%dma_wait3A_157, %dma_wait3A_158, %dma_wait3A_159] : memref<2x32x512xf32, #tpu.memory_space<vmem>> -> memref<1x32x512xf32, #tpu.memory_space<vmem>>
      %dma_wait3A_161 = tpu.memref_squeeze %dma_wait3A_160 : memref<1x32x512xf32, #tpu.memory_space<vmem>> -> memref<32x512xf32, #tpu.memory_space<vmem>>
      %dma_wait3A_162 = arith.constant 0 : i32
      %dma_wait3A_163 = tpu.memref_slice %arg3[%add3A, %dma_wait3A_156, %mul3A_139, %dma_wait3A_162] : memref<32x1x512x512xf32, #tpu.memory_space<hbm>> -> memref<1x1x32x512xf32, #tpu.memory_space<hbm>>
      %dma_wait3A_164 = tpu.memref_squeeze %dma_wait3A_163 : memref<1x1x32x512xf32, #tpu.memory_space<hbm>> -> memref<32x512xf32, #tpu.memory_space<hbm>>
      %dma_wait3A_165 = arith.constant 0 : i32
      %dma_wait3A_166 = arith.constant 0 : i32
      %dma_wait3A_167 = tpu.memref_slice %arg6[%dma_wait3A_157, %dma_wait3A_165, %dma_wait3A_166] : memref<2x32x512xf32, #tpu.memory_space<vmem>> -> memref<1x32x512xf32, #tpu.memory_space<vmem>>
      %dma_wait3A_168 = tpu.memref_squeeze %dma_wait3A_167 : memref<1x32x512xf32, #tpu.memory_space<vmem>> -> memref<32x512xf32, #tpu.memory_space<vmem>>
      %dma_wait3A_169 = arith.constant 0 : i32
      %dma_wait3A_170 = tpu.memref_slice %arg3[%add3A, %dma_wait3A_156, %mul3A_139, %dma_wait3A_169] : memref<32x1x512x512xf32, #tpu.memory_space<hbm>> -> memref<1x1x32x512xf32, #tpu.memory_space<hbm>>
      %dma_wait3A_171 = tpu.memref_squeeze %dma_wait3A_170 : memref<1x1x32x512xf32, #tpu.memory_space<hbm>> -> memref<32x512xf32, #tpu.memory_space<hbm>>
      tpu.wait_dma2 semaphore(%arg9 : memref<!tpu.dma_semaphore, #tpu.memory_space<semaphore_mem>>) src(%dma_wait3A_171 : memref<32x512xf32, #tpu.memory_space<hbm>>) dst(%dma_wait3A_168 : memref<32x512xf32, #tpu.memory_space<vmem>>)
      %parallel_loop3A_172 = arith.constant 0 : i32
      %parallel_loop3A_173 = arith.constant 1024 : i32
      %parallel_loop3A_174 = arith.constant 1 : i32
      scf.for %parallel_loop3A_182 = %parallel_loop3A_172 to %parallel_loop3A_173 step %parallel_loop3A_174  : i32 {
        %parallel_loop3A_183 = arith.constant 32 : i32
        %parallel_loop3A_184 = arith.divsi %parallel_loop3A_182, %parallel_loop3A_183 : i32
        %parallel_loop3A_185 = arith.constant 0 : i32
        %parallel_loop3A_186 = arith.cmpi sgt, %parallel_loop3A_182, %parallel_loop3A_185 : i32
        %parallel_loop3A_187 = arith.extui %parallel_loop3A_186 : i1 to i32
        %parallel_loop3A_188 = arith.constant 0 : i32
        %parallel_loop3A_189 = arith.cmpi slt, %parallel_loop3A_182, %parallel_loop3A_188 : i32
        %parallel_loop3A_190 = arith.extui %parallel_loop3A_189 : i1 to i32
        %parallel_loop3A_191 = arith.subi %parallel_loop3A_187, %parallel_loop3A_190 : i32
        %parallel_loop3A_192 = arith.constant 0 : i32
        %parallel_loop3A_193 = arith.cmpi sgt, %parallel_loop3A_183, %parallel_loop3A_192 : i32
        %parallel_loop3A_194 = arith.extui %parallel_loop3A_193 : i1 to i32
        %parallel_loop3A_195 = arith.constant 0 : i32
        %parallel_loop3A_196 = arith.cmpi slt, %parallel_loop3A_183, %parallel_loop3A_195 : i32
        %parallel_loop3A_197 = arith.extui %parallel_loop3A_196 : i1 to i32
        %parallel_loop3A_198 = arith.subi %parallel_loop3A_194, %parallel_loop3A_197 : i32
        %parallel_loop3A_199 = arith.cmpi ne, %parallel_loop3A_191, %parallel_loop3A_198 : i32
        %parallel_loop3A_200 = arith.remsi %parallel_loop3A_182, %parallel_loop3A_183 : i32
        %parallel_loop3A_201 = arith.constant 0 : i32
        %parallel_loop3A_202 = arith.cmpi ne, %parallel_loop3A_200, %parallel_loop3A_201 : i32
        %parallel_loop3A_203 = arith.andi %parallel_loop3A_199, %parallel_loop3A_202 : i1
        %parallel_loop3A_204 = arith.constant 1 : i32
        %parallel_loop3A_205 = arith.subi %parallel_loop3A_184, %parallel_loop3A_204 : i32
        %parallel_loop3A_206 = arith.select %parallel_loop3A_203, %parallel_loop3A_205, %parallel_loop3A_184 : i32
        %parallel_loop3A_207 = arith.constant 32 : i32
        %parallel_loop3A_208 = arith.constant 0 : i32
        %parallel_loop3A_209 = arith.cmpi eq, %parallel_loop3A_207, %parallel_loop3A_208 : i32
        %parallel_loop3A_210 = arith.constant 1 : i32
        %parallel_loop3A_211 = arith.select %parallel_loop3A_209, %parallel_loop3A_210, %parallel_loop3A_207 : i32
        %parallel_loop3A_212 = arith.remsi %parallel_loop3A_182, %parallel_loop3A_211 : i32
        %parallel_loop3A_213 = arith.constant 0 : i32
        %parallel_loop3A_214 = arith.cmpi ne, %parallel_loop3A_212, %parallel_loop3A_213 : i32
        %parallel_loop3A_215 = arith.constant 0 : i32
        %parallel_loop3A_216 = arith.cmpi slt, %parallel_loop3A_212, %parallel_loop3A_215 : i32
        %parallel_loop3A_217 = arith.constant 0 : i32
        %parallel_loop3A_218 = arith.cmpi slt, %parallel_loop3A_211, %parallel_loop3A_217 : i32
        %parallel_loop3A_219 = arith.xori %parallel_loop3A_216, %parallel_loop3A_218 : i1
        %parallel_loop3A_220 = arith.andi %parallel_loop3A_219, %parallel_loop3A_214 : i1
        %parallel_loop3A_221 = arith.addi %parallel_loop3A_212, %parallel_loop3A_211 : i32
        %parallel_loop3A_222 = arith.select %parallel_loop3A_220, %parallel_loop3A_221, %parallel_loop3A_212 : i32
        %parallel_loop3A_223 = arith.constant 16 : i32
        %parallel_loop3A_224 = arith.muli %parallel_loop3A_222, %parallel_loop3A_223 : i32
        %parallel_loop3A_225 = arith.constant 1 : i32
        %parallel_loop3A_226 = arith.index_cast %parallel_loop3A_225 : i32 to index
        %parallel_loop3A_227 = arith.index_cast %parallel_loop3A_206 : i32 to index
        %parallel_loop3A_228 = arith.index_cast %parallel_loop3A_224 : i32 to index
        %parallel_loop3A_229 = tpu.vector_load %arg5[%parallel_loop3A_226, %parallel_loop3A_227, %parallel_loop3A_228] {strides = array<i32>} : memref<2x32x512xf32, #tpu.memory_space<vmem>>, vector<16xf32>,
        %parallel_loop3A_230 = arith.constant 1 : i32
        %parallel_loop3A_231 = arith.index_cast %parallel_loop3A_230 : i32 to index
        %parallel_loop3A_232 = arith.index_cast %parallel_loop3A_206 : i32 to index
        %parallel_loop3A_233 = arith.index_cast %parallel_loop3A_224 : i32 to index
        %parallel_loop3A_234 = tpu.vector_load %arg6[%parallel_loop3A_231, %parallel_loop3A_232, %parallel_loop3A_233] {strides = array<i32>} : memref<2x32x512xf32, #tpu.memory_space<vmem>>, vector<16xf32>,
        %parallel_loop3A_235 = arith.constant 0.000000e+00 : f32
        %parallel_loop3A_236 = vector.broadcast %parallel_loop3A_235 : f32 to vector<16xf32>
        %parallel_loop3A_237 = arith.subf %parallel_loop3A_236, %parallel_loop3A_229 : vector<16xf32>
        %parallel_loop3A_238 = math.exp %parallel_loop3A_237 : vector<16xf32>
        %parallel_loop3A_239 = arith.constant 1.000000e+00 : f32
        %parallel_loop3A_240 = vector.broadcast %parallel_loop3A_239 : f32 to vector<16xf32>
        %parallel_loop3A_241 = arith.addf %parallel_loop3A_240, %parallel_loop3A_238 : vector<16xf32>
        %parallel_loop3A_242 = arith.constant 2.550000e+02 : f32
        %parallel_loop3A_243 = vector.broadcast %parallel_loop3A_242 : f32 to vector<16xf32>
        %parallel_loop3A_244 = arith.divf %parallel_loop3A_243, %parallel_loop3A_241 : vector<16xf32>
        %parallel_loop3A_245 = arith.fptosi %parallel_loop3A_244 : vector<16xf32> to vector<16xi32>
        %parallel_loop3A_246 = arith.constant 0 : i32
        %parallel_loop3A_247 = arith.constant 254 : i32
        %parallel_loop3A_248 = vector.broadcast %parallel_loop3A_246 : i32 to vector<16xi32>
        %parallel_loop3A_249 = arith.maxsi %parallel_loop3A_248, %parallel_loop3A_245 : vector<16xi32>
        %parallel_loop3A_250 = vector.broadcast %parallel_loop3A_247 : i32 to vector<16xi32>
        %parallel_loop3A_251 = arith.minsi %parallel_loop3A_250, %parallel_loop3A_249 : vector<16xi32>
        %parallel_loop3A_252 = arith.constant 0.501960814 : f32
        %parallel_loop3A_253 = vector.broadcast %parallel_loop3A_252 : f32 to vector<16xf32>
        %parallel_loop3A_254 = arith.cmpf ogt, %parallel_loop3A_234, %parallel_loop3A_253 : vector<16xf32>
        %parallel_loop3A_255 = arith.constant 1 : i32
        %parallel_loop3A_256 = arith.constant 0 : i32
        %parallel_loop3A_257 = arith.cmpi eq, %parallel_loop3A_255, %parallel_loop3A_256 : i32
        %parallel_loop3A_258 = arith.constant 1 : i32
        %parallel_loop3A_259 = arith.select %parallel_loop3A_257, %parallel_loop3A_258, %parallel_loop3A_255 : i32
        %parallel_loop3A_260 = arith.remsi %parallel_loop3A_182, %parallel_loop3A_259 : i32
        %parallel_loop3A_261 = arith.constant 0 : i32
        %parallel_loop3A_262 = arith.cmpi ne, %parallel_loop3A_260, %parallel_loop3A_261 : i32
        %parallel_loop3A_263 = arith.constant 0 : i32
        %parallel_loop3A_264 = arith.cmpi slt, %parallel_loop3A_260, %parallel_loop3A_263 : i32
        %parallel_loop3A_265 = arith.constant 0 : i32
        %parallel_loop3A_266 = arith.cmpi slt, %parallel_loop3A_259, %parallel_loop3A_265 : i32
        %parallel_loop3A_267 = arith.xori %parallel_loop3A_264, %parallel_loop3A_266 : i1
        %parallel_loop3A_268 = arith.andi %parallel_loop3A_267, %parallel_loop3A_262 : i1
        %parallel_loop3A_269 = arith.addi %parallel_loop3A_260, %parallel_loop3A_259 : i32
        %parallel_loop3A_270 = arith.select %parallel_loop3A_268, %parallel_loop3A_269, %parallel_loop3A_260 : i32
        %parallel_loop3A_271 = arith.constant 8192 : i32
        %parallel_loop3A_272 = arith.muli %parallel_loop3A_270, %parallel_loop3A_271 : i32
        %parallel_loop3A_273 = arith.subi %add3A_12, %parallel_loop3A_251 : vector<16xi32>
        %parallel_loop3A_274 = arith.constant 256 : i32
        %parallel_loop3A_275 = arith.addi %parallel_loop3A_272, %parallel_loop3A_274 : i32
        %parallel_loop3A_276 = vector.broadcast %parallel_loop3A_272 : i32 to vector<16xi32>
        %parallel_loop3A_277 = vector.broadcast %parallel_loop3A_275 : i32 to vector<16xi32>
        %parallel_loop3A_278 = arith.select %parallel_loop3A_254, %parallel_loop3A_276, %parallel_loop3A_277 : vector<16xi1>, vector<16xi32>
        %parallel_loop3A_279 = arith.addi %parallel_loop3A_273, %parallel_loop3A_278 : vector<16xi32>
        tpu.vector_store_idx %arg7[%parallel_loop3A_279], %broadcast_in_dim3A_13 {add = true} : memref<8192xf32, #tpu.memory_space<vmem>>[vector<16xi32>], vector<16xf32>,
      } {sc.loop_unroll_factor = 16 : i64, sc.parallel_access}
      %add3A_175 = arith.constant 2 : i32
      %add3A_176 = arith.addi %add3A_137, %add3A_175 : i32
      %lt3A_177 = arith.constant 16 : i32
      %lt3A_178 = arith.cmpi slt, %add3A_176, %lt3A_177 : i32
      %convert_element_type3A_179 = arith.extui %lt3A_178 : i1 to i32
      %cond3A_180 = arith.constant 0 : i32
      %cond3A_181 = arith.cmpi ne, %convert_element_type3A_179, %cond3A_180 : i32
      scf.if %cond3A_181 {
        %add3A_182 = arith.constant 2 : i32
        %add3A_183 = arith.addi %add3A_137, %add3A_182 : i32
        %mul3A_184 = arith.constant 32 : i32
        %mul3A_185 = arith.muli %add3A_183, %mul3A_184 : i32
        %dma_start3A_186 = arith.constant 0 : i32
        %dma_start3A_187 = arith.constant 1 : i32
        %dma_start3A_188 = arith.constant 0 : i32
        %dma_start3A_189 = arith.constant 0 : i32
        %dma_start3A_190 = tpu.memref_slice %arg5[%dma_start3A_187, %dma_start3A_188, %dma_start3A_189] : memref<2x32x512xf32, #tpu.memory_space<vmem>> -> memref<1x32x512xf32, #tpu.memory_space<vmem>>
        %dma_start3A_191 = tpu.memref_squeeze %dma_start3A_190 : memref<1x32x512xf32, #tpu.memory_space<vmem>> -> memref<32x512xf32, #tpu.memory_space<vmem>>
        %dma_start3A_192 = arith.constant 0 : i32
        %dma_start3A_193 = tpu.memref_slice %arg2[%add3A, %dma_start3A_186, %mul3A_185, %dma_start3A_192] : memref<32x1x512x512xf32, #tpu.memory_space<hbm>> -> memref<1x1x32x512xf32, #tpu.memory_space<hbm>>
        %dma_start3A_194 = tpu.memref_squeeze %dma_start3A_193 : memref<1x1x32x512xf32, #tpu.memory_space<hbm>> -> memref<32x512xf32, #tpu.memory_space<hbm>>
        %dma_start3A_195 = arith.constant 0 : i32
        %dma_start3A_196 = arith.constant 0 : i32
        %dma_start3A_197 = tpu.memref_slice %arg5[%dma_start3A_187, %dma_start3A_195, %dma_start3A_196] : memref<2x32x512xf32, #tpu.memory_space<vmem>> -> memref<1x32x512xf32, #tpu.memory_space<vmem>>
        %dma_start3A_198 = tpu.memref_squeeze %dma_start3A_197 : memref<1x32x512xf32, #tpu.memory_space<vmem>> -> memref<32x512xf32, #tpu.memory_space<vmem>>
        %dma_start3A_199 = arith.constant 0 : i32
        %dma_start3A_200 = tpu.memref_slice %arg2[%add3A, %dma_start3A_186, %mul3A_185, %dma_start3A_199] : memref<32x1x512x512xf32, #tpu.memory_space<hbm>> -> memref<1x1x32x512xf32, #tpu.memory_space<hbm>>
        %dma_start3A_201 = tpu.memref_squeeze %dma_start3A_200 : memref<1x1x32x512xf32, #tpu.memory_space<hbm>> -> memref<32x512xf32, #tpu.memory_space<hbm>>
        tpu.enqueue_dma source(%dma_start3A_201 : memref<32x512xf32, #tpu.memory_space<hbm>>) target(%dma_start3A_198 : memref<32x512xf32, #tpu.memory_space<vmem>>) target_semaphore(%arg9 : memref<!tpu.dma_semaphore, #tpu.memory_space<semaphore_mem>>)
        %dma_start3A_202 = arith.constant 0 : i32
        %dma_start3A_203 = arith.constant 1 : i32
        %dma_start3A_204 = arith.constant 0 : i32
        %dma_start3A_205 = arith.constant 0 : i32
        %dma_start3A_206 = tpu.memref_slice %arg6[%dma_start3A_203, %dma_start3A_204, %dma_start3A_205] : memref<2x32x512xf32, #tpu.memory_space<vmem>> -> memref<1x32x512xf32, #tpu.memory_space<vmem>>
        %dma_start3A_207 = tpu.memref_squeeze %dma_start3A_206 : memref<1x32x512xf32, #tpu.memory_space<vmem>> -> memref<32x512xf32, #tpu.memory_space<vmem>>
        %dma_start3A_208 = arith.constant 0 : i32
        %dma_start3A_209 = tpu.memref_slice %arg3[%add3A, %dma_start3A_202, %mul3A_185, %dma_start3A_208] : memref<32x1x512x512xf32, #tpu.memory_space<hbm>> -> memref<1x1x32x512xf32, #tpu.memory_space<hbm>>
        %dma_start3A_210 = tpu.memref_squeeze %dma_start3A_209 : memref<1x1x32x512xf32, #tpu.memory_space<hbm>> -> memref<32x512xf32, #tpu.memory_space<hbm>>
        %dma_start3A_211 = arith.constant 0 : i32
        %dma_start3A_212 = arith.constant 0 : i32
        %dma_start3A_213 = tpu.memref_slice %arg6[%dma_start3A_203, %dma_start3A_211, %dma_start3A_212] : memref<2x32x512xf32, #tpu.memory_space<vmem>> -> memref<1x32x512xf32, #tpu.memory_space<vmem>>
        %dma_start3A_214 = tpu.memref_squeeze %dma_start3A_213 : memref<1x32x512xf32, #tpu.memory_space<vmem>> -> memref<32x512xf32, #tpu.memory_space<vmem>>
        %dma_start3A_215 = arith.constant 0 : i32
        %dma_start3A_216 = tpu.memref_slice %arg3[%add3A, %dma_start3A_202, %mul3A_185, %dma_start3A_215] : memref<32x1x512x512xf32, #tpu.memory_space<hbm>> -> memref<1x1x32x512xf32, #tpu.memory_space<hbm>>
        %dma_start3A_217 = tpu.memref_squeeze %dma_start3A_216 : memref<1x1x32x512xf32, #tpu.memory_space<hbm>> -> memref<32x512xf32, #tpu.memory_space<hbm>>
        tpu.enqueue_dma source(%dma_start3A_217 : memref<32x512xf32, #tpu.memory_space<hbm>>) target(%dma_start3A_214 : memref<32x512xf32, #tpu.memory_space<vmem>>) target_semaphore(%arg9 : memref<!tpu.dma_semaphore, #tpu.memory_space<semaphore_mem>>)
      } else {
      }
    }
    %scan3A_89 = arith.constant 8 : i32
    "tpu.region"() ({
      %run_scoped3A = tpu.sem_alloc : memref<!tpu.dma_semaphore, #tpu.memory_space<semaphore_mem>>
      %dma_start3A_90 = arith.constant 0 : i32
      %dma_start3A_91 = tpu.memref_slice %arg4[%add3A, %dma_start3A_90] : memref<32x8192xf32, #tpu.memory_space<hbm>> -> memref<1x8192xf32, #tpu.memory_space<hbm>>
      %dma_start3A_92 = tpu.memref_squeeze %dma_start3A_91 : memref<1x8192xf32, #tpu.memory_space<hbm>> -> memref<8192xf32, #tpu.memory_space<hbm>>
      %dma_start3A_93 = arith.constant 0 : i32
      %dma_start3A_94 = tpu.memref_slice %arg4[%add3A, %dma_start3A_93] : memref<32x8192xf32, #tpu.memory_space<hbm>> -> memref<1x8192xf32, #tpu.memory_space<hbm>>
      %dma_start3A_95 = tpu.memref_squeeze %dma_start3A_94 : memref<1x8192xf32, #tpu.memory_space<hbm>> -> memref<8192xf32, #tpu.memory_space<hbm>>
      tpu.enqueue_dma source(%arg7 : memref<8192xf32, #tpu.memory_space<vmem>>) target(%dma_start3A_95 : memref<8192xf32, #tpu.memory_space<hbm>>) target_semaphore(%run_scoped3A : memref<!tpu.dma_semaphore, #tpu.memory_space<semaphore_mem>>)
      %dma_wait3A = arith.constant 0 : i32
      %dma_wait3A_96 = tpu.memref_slice %arg4[%add3A, %dma_wait3A] : memref<32x8192xf32, #tpu.memory_space<hbm>> -> memref<1x8192xf32, #tpu.memory_space<hbm>>
      %dma_wait3A_97 = tpu.memref_squeeze %dma_wait3A_96 : memref<1x8192xf32, #tpu.memory_space<hbm>> -> memref<8192xf32, #tpu.memory_space<hbm>>
      %dma_wait3A_98 = arith.constant 0 : i32
      %dma_wait3A_99 = tpu.memref_slice %arg4[%add3A, %dma_wait3A_98] : memref<32x8192xf32, #tpu.memory_space<hbm>> -> memref<1x8192xf32, #tpu.memory_space<hbm>>
      %dma_wait3A_100 = tpu.memref_squeeze %dma_wait3A_99 : memref<1x8192xf32, #tpu.memory_space<hbm>> -> memref<8192xf32, #tpu.memory_space<hbm>>
      tpu.wait_dma2 semaphore(%run_scoped3A : memref<!tpu.dma_semaphore, #tpu.memory_space<semaphore_mem>>) src(%arg7 : memref<8192xf32, #tpu.memory_space<vmem>>) dst(%dma_wait3A_100 : memref<8192xf32, #tpu.memory_space<hbm>>)
      tpu.yield
    }) : () -> ()
    return
  }
}

module attributes {stable_mosaic.version = 14 : i64} {
  func.func @_aiu_body(%arg0: memref<512x512xf32, #tpu.memory_space<vmem>>, %arg1: memref<255xf32, #tpu.memory_space<vmem>>) attributes {dimension_semantics = [], scalar_prefetch = 0 : i64, scratch_operands = 0 : i64, tpu.core_type = #tpu.core_type<tc>} {
    %get3A = arith.constant 0 : index
    %get3A_0 = arith.constant 0 : index
    %get3A_1 = vector.load %arg0[%get3A, %get3A_0] : memref<512x512xf32, #tpu.memory_space<vmem>>, vector<512x512xf32>
    %reduce_sum3A = arith.constant dense<0.000000e+00> : vector<512xf32>
    %reduce_sum3A_2 = vector.multi_reduction <add>, %get3A_1, %reduce_sum3A [0] : vector<512x512xf32> to vector<512xf32>
    %slice3A = vector.extract_strided_slice %reduce_sum3A_2 {offsets = [0], sizes = [255], strides = [1]} : vector<512xf32> to vector<255xf32>
    %slice3A_3 = vector.extract_strided_slice %reduce_sum3A_2 {offsets = [256], sizes = [255], strides = [1]} : vector<512xf32> to vector<255xf32>
    %reduce_sum3A_4 = vector.shape_cast %slice3A : vector<255xf32> to vector<1x255xf32>
    %reduce_sum3A_5 = arith.constant dense<0.000000e+00> : vector<1xf32>
    %reduce_sum3A_6 = vector.multi_reduction <add>, %reduce_sum3A_4, %reduce_sum3A_5 [1] : vector<1x255xf32> to vector<1xf32>
    %reduce_sum3A_7 = vector.shape_cast %reduce_sum3A_6 : vector<1xf32> to vector<1x1xf32>
    %reduce_sum3A_8 = vector.extract %reduce_sum3A_7[0, 0] : f32 from vector<1x1xf32>
    %broadcast_in_dim3A = arith.constant 0.000000e+00 : f32
    %broadcast_in_dim3A_9 = vector.broadcast %broadcast_in_dim3A : f32 to vector<1xf32>
    %slice3A_10 = vector.extract_strided_slice %slice3A {offsets = [0], sizes = [254], strides = [1]} : vector<255xf32> to vector<254xf32>
    %concatenate3A = tpu.concatenate %broadcast_in_dim3A_9, %slice3A_10 in 0 : vector<1xf32>, vector<254xf32> -> vector<255xf32>
    %add3A = arith.addf %slice3A, %concatenate3A : vector<255xf32>
    %broadcast_in_dim3A_11 = arith.constant 0.000000e+00 : f32
    %broadcast_in_dim3A_12 = vector.broadcast %broadcast_in_dim3A_11 : f32 to vector<2xf32>
    %slice3A_13 = vector.extract_strided_slice %add3A {offsets = [0], sizes = [253], strides = [1]} : vector<255xf32> to vector<253xf32>
    %concatenate3A_14 = tpu.concatenate %broadcast_in_dim3A_12, %slice3A_13 in 0 : vector<2xf32>, vector<253xf32> -> vector<255xf32>
    %add3A_15 = arith.addf %add3A, %concatenate3A_14 : vector<255xf32>
    %broadcast_in_dim3A_16 = arith.constant 0.000000e+00 : f32
    %broadcast_in_dim3A_17 = vector.broadcast %broadcast_in_dim3A_16 : f32 to vector<4xf32>
    %slice3A_18 = vector.extract_strided_slice %add3A_15 {offsets = [0], sizes = [251], strides = [1]} : vector<255xf32> to vector<251xf32>
    %concatenate3A_19 = tpu.concatenate %broadcast_in_dim3A_17, %slice3A_18 in 0 : vector<4xf32>, vector<251xf32> -> vector<255xf32>
    %add3A_20 = arith.addf %add3A_15, %concatenate3A_19 : vector<255xf32>
    %broadcast_in_dim3A_21 = arith.constant 0.000000e+00 : f32
    %broadcast_in_dim3A_22 = vector.broadcast %broadcast_in_dim3A_21 : f32 to vector<8xf32>
    %slice3A_23 = vector.extract_strided_slice %add3A_20 {offsets = [0], sizes = [247], strides = [1]} : vector<255xf32> to vector<247xf32>
    %concatenate3A_24 = tpu.concatenate %broadcast_in_dim3A_22, %slice3A_23 in 0 : vector<8xf32>, vector<247xf32> -> vector<255xf32>
    %add3A_25 = arith.addf %add3A_20, %concatenate3A_24 : vector<255xf32>
    %broadcast_in_dim3A_26 = arith.constant 0.000000e+00 : f32
    %broadcast_in_dim3A_27 = vector.broadcast %broadcast_in_dim3A_26 : f32 to vector<16xf32>
    %slice3A_28 = vector.extract_strided_slice %add3A_25 {offsets = [0], sizes = [239], strides = [1]} : vector<255xf32> to vector<239xf32>
    %concatenate3A_29 = tpu.concatenate %broadcast_in_dim3A_27, %slice3A_28 in 0 : vector<16xf32>, vector<239xf32> -> vector<255xf32>
    %add3A_30 = arith.addf %add3A_25, %concatenate3A_29 : vector<255xf32>
    %broadcast_in_dim3A_31 = arith.constant 0.000000e+00 : f32
    %broadcast_in_dim3A_32 = vector.broadcast %broadcast_in_dim3A_31 : f32 to vector<32xf32>
    %slice3A_33 = vector.extract_strided_slice %add3A_30 {offsets = [0], sizes = [223], strides = [1]} : vector<255xf32> to vector<223xf32>
    %concatenate3A_34 = tpu.concatenate %broadcast_in_dim3A_32, %slice3A_33 in 0 : vector<32xf32>, vector<223xf32> -> vector<255xf32>
    %add3A_35 = arith.addf %add3A_30, %concatenate3A_34 : vector<255xf32>
    %broadcast_in_dim3A_36 = arith.constant 0.000000e+00 : f32
    %broadcast_in_dim3A_37 = vector.broadcast %broadcast_in_dim3A_36 : f32 to vector<64xf32>
    %slice3A_38 = vector.extract_strided_slice %add3A_35 {offsets = [0], sizes = [191], strides = [1]} : vector<255xf32> to vector<191xf32>
    %concatenate3A_39 = tpu.concatenate %broadcast_in_dim3A_37, %slice3A_38 in 0 : vector<64xf32>, vector<191xf32> -> vector<255xf32>
    %add3A_40 = arith.addf %add3A_35, %concatenate3A_39 : vector<255xf32>
    %broadcast_in_dim3A_41 = arith.constant 0.000000e+00 : f32
    %broadcast_in_dim3A_42 = vector.broadcast %broadcast_in_dim3A_41 : f32 to vector<128xf32>
    %slice3A_43 = vector.extract_strided_slice %add3A_40 {offsets = [0], sizes = [127], strides = [1]} : vector<255xf32> to vector<127xf32>
    %concatenate3A_44 = tpu.concatenate %broadcast_in_dim3A_42, %slice3A_43 in 0 : vector<128xf32>, vector<127xf32> -> vector<255xf32>
    %add3A_45 = arith.addf %add3A_40, %concatenate3A_44 : vector<255xf32>
    %broadcast_in_dim3A_46 = arith.constant 0.000000e+00 : f32
    %broadcast_in_dim3A_47 = vector.broadcast %broadcast_in_dim3A_46 : f32 to vector<1xf32>
    %slice3A_48 = vector.extract_strided_slice %slice3A_3 {offsets = [0], sizes = [254], strides = [1]} : vector<255xf32> to vector<254xf32>
    %concatenate3A_49 = tpu.concatenate %broadcast_in_dim3A_47, %slice3A_48 in 0 : vector<1xf32>, vector<254xf32> -> vector<255xf32>
    %add3A_50 = arith.addf %slice3A_3, %concatenate3A_49 : vector<255xf32>
    %broadcast_in_dim3A_51 = arith.constant 0.000000e+00 : f32
    %broadcast_in_dim3A_52 = vector.broadcast %broadcast_in_dim3A_51 : f32 to vector<2xf32>
    %slice3A_53 = vector.extract_strided_slice %add3A_50 {offsets = [0], sizes = [253], strides = [1]} : vector<255xf32> to vector<253xf32>
    %concatenate3A_54 = tpu.concatenate %broadcast_in_dim3A_52, %slice3A_53 in 0 : vector<2xf32>, vector<253xf32> -> vector<255xf32>
    %add3A_55 = arith.addf %add3A_50, %concatenate3A_54 : vector<255xf32>
    %broadcast_in_dim3A_56 = arith.constant 0.000000e+00 : f32
    %broadcast_in_dim3A_57 = vector.broadcast %broadcast_in_dim3A_56 : f32 to vector<4xf32>
    %slice3A_58 = vector.extract_strided_slice %add3A_55 {offsets = [0], sizes = [251], strides = [1]} : vector<255xf32> to vector<251xf32>
    %concatenate3A_59 = tpu.concatenate %broadcast_in_dim3A_57, %slice3A_58 in 0 : vector<4xf32>, vector<251xf32> -> vector<255xf32>
    %add3A_60 = arith.addf %add3A_55, %concatenate3A_59 : vector<255xf32>
    %broadcast_in_dim3A_61 = arith.constant 0.000000e+00 : f32
    %broadcast_in_dim3A_62 = vector.broadcast %broadcast_in_dim3A_61 : f32 to vector<8xf32>
    %slice3A_63 = vector.extract_strided_slice %add3A_60 {offsets = [0], sizes = [247], strides = [1]} : vector<255xf32> to vector<247xf32>
    %concatenate3A_64 = tpu.concatenate %broadcast_in_dim3A_62, %slice3A_63 in 0 : vector<8xf32>, vector<247xf32> -> vector<255xf32>
    %add3A_65 = arith.addf %add3A_60, %concatenate3A_64 : vector<255xf32>
    %broadcast_in_dim3A_66 = arith.constant 0.000000e+00 : f32
    %broadcast_in_dim3A_67 = vector.broadcast %broadcast_in_dim3A_66 : f32 to vector<16xf32>
    %slice3A_68 = vector.extract_strided_slice %add3A_65 {offsets = [0], sizes = [239], strides = [1]} : vector<255xf32> to vector<239xf32>
    %concatenate3A_69 = tpu.concatenate %broadcast_in_dim3A_67, %slice3A_68 in 0 : vector<16xf32>, vector<239xf32> -> vector<255xf32>
    %add3A_70 = arith.addf %add3A_65, %concatenate3A_69 : vector<255xf32>
    %broadcast_in_dim3A_71 = arith.constant 0.000000e+00 : f32
    %broadcast_in_dim3A_72 = vector.broadcast %broadcast_in_dim3A_71 : f32 to vector<32xf32>
    %slice3A_73 = vector.extract_strided_slice %add3A_70 {offsets = [0], sizes = [223], strides = [1]} : vector<255xf32> to vector<223xf32>
    %concatenate3A_74 = tpu.concatenate %broadcast_in_dim3A_72, %slice3A_73 in 0 : vector<32xf32>, vector<223xf32> -> vector<255xf32>
    %add3A_75 = arith.addf %add3A_70, %concatenate3A_74 : vector<255xf32>
    %broadcast_in_dim3A_76 = arith.constant 0.000000e+00 : f32
    %broadcast_in_dim3A_77 = vector.broadcast %broadcast_in_dim3A_76 : f32 to vector<64xf32>
    %slice3A_78 = vector.extract_strided_slice %add3A_75 {offsets = [0], sizes = [191], strides = [1]} : vector<255xf32> to vector<191xf32>
    %concatenate3A_79 = tpu.concatenate %broadcast_in_dim3A_77, %slice3A_78 in 0 : vector<64xf32>, vector<191xf32> -> vector<255xf32>
    %add3A_80 = arith.addf %add3A_75, %concatenate3A_79 : vector<255xf32>
    %broadcast_in_dim3A_81 = arith.constant 0.000000e+00 : f32
    %broadcast_in_dim3A_82 = vector.broadcast %broadcast_in_dim3A_81 : f32 to vector<128xf32>
    %slice3A_83 = vector.extract_strided_slice %add3A_80 {offsets = [0], sizes = [127], strides = [1]} : vector<255xf32> to vector<127xf32>
    %concatenate3A_84 = tpu.concatenate %broadcast_in_dim3A_82, %slice3A_83 in 0 : vector<128xf32>, vector<127xf32> -> vector<255xf32>
    %add3A_85 = arith.addf %add3A_80, %concatenate3A_84 : vector<255xf32>
    %add3A_86 = vector.broadcast %reduce_sum3A_8 : f32 to vector<255xf32>
    %add3A_87 = arith.addf %add3A_86, %add3A_85 : vector<255xf32>
    %add3A_88 = arith.constant 1.000000e-07 : f32
    %add3A_89 = vector.broadcast %add3A_88 : f32 to vector<255xf32>
    %add3A_90 = arith.addf %add3A_87, %add3A_89 : vector<255xf32>
    %eq3A = arith.constant 0.000000e+00 : f32
    %eq3A_91 = arith.cmpf oeq, %reduce_sum3A_8, %eq3A : f32
    %div3A = arith.constant 1.000000e-07 : f32
    %div3A_92 = vector.broadcast %div3A : f32 to vector<255xf32>
    %div3A_93 = arith.divf %div3A_92, %add3A_90 : vector<255xf32>
    %add3A_94 = arith.addf %add3A_45, %div3A_93 : vector<255xf32>
    %div3A_95 = arith.divf %add3A_45, %add3A_90 : vector<255xf32>
    %select_n3A = arith.select %eq3A_91, %add3A_94, %div3A_95 : vector<255xf32>
    %swap3A = arith.constant 0 : index
    %swap3A_96 = vector.load %arg1[%swap3A] : memref<255xf32, #tpu.memory_space<vmem>>, vector<255xf32>
    tpu.vector_store %arg1[%swap3A], %select_n3A {strides = array<i32>} : memref<255xf32, #tpu.memory_space<vmem>>, vector<255xf32>,
    return
  }
}

</mosaic_0001>

<sc_bundles>
// kernel: kernel.4.cloned.1.call-start
scs
__scs_entry_jumppad:
0x0: {  	(pc) =	sbr.rel $0x88, $3  }
0x1: {  	(tag) =	ssettag $0x0;
	lr =	simm.s32 $0x1  }
0x2: {  	[smem:$0x3F9F] =	sst lr;
	_ =	strace $0xD0000000  }
0x3: {  	_ = 	snop  }
0x4: {  	_ = 	snop  }
0x5: {  	_ = 	snop  }
0x6: {  	_ = 	snop  }
0x7: {  	_ = 	snop  }
__scs_overlays_trampoline_lowered:
0x8: {  	[smem:$0x3FAE] =	sst s0  }
0x9: {  	[smem:$0x3FAF] =	sst s1  }
0xa: {  	[smem:$0x3FB0] =	sst s2  }
0xb: {  	[smem:$0x3FB1] =	sst s3  }
0xc: {  	[smem:$0x3FB2] =	sst s4  }
0xd: {  	[smem:$0x3FB3] =	sst s5  }
0xe: {  	[smem:$0x3FB4] =	sst s6  }
0xf: {  	[smem:$0x3FB5] =	sst s7  }
0x10: {  	[smem:$0x3FB6] =	sst s8  }
0x11: {  	[smem:$0x3FB7] =	sst s9;
	s0 =	simm.s32 @!p0 $0x0  }
0x12: {  	s1 =	sld [smem:$0x3F9D];
	s0 =	simm.s32 @p0 $0x1  }
0x13: {  	[smem:$0x3FB8] =	sst s0;
	s0 =	simm.s32 @!p1 $0x0  }
0x14: {  	s2 =	sld [smem:$0x3F9C];
	s0 =	simm.s32 @p1 $0x1  }
0x15: {  	[smem:$0x3FB9] =	sst s0;
	s0 =	simm.s32 @!p2 $0x0  }
0x16: {  	s3 =	sld [smem:$0x3FDB];
	s0 =	simm.s32 @p2 $0x1  }
0x17: {  	s4 =	simm.s32 $0x1BF5;
	[smem:$0x3FBB] =	sst s0  }
0x18: {  	s0 =	sld [smem:$0x3F9E];
	_ =	swait.ge [sflag:s4], $0x0  }
0x19: {  	s7 =	sld [smem:$0x3F9F]  }
0x1a: {  	s8 =	sadd.s32 $0xFFFFE003, lr  }
0x1b: {  	s9 =	sadd.s32 $0xFFFFFEF7, lr;
	s5 =	simm.s32 $0xFFFFFFFF;
	p2 =	slt.u32 s8, $0xFFFFF086  }
0x1c: {  	p1 =	slt.u32 s9, $0xF7A;
	s5 =	simm.s32 @!p2 $0x0  }
0x1d: {  	s5 =	simm.s32 @p1 $0x1;
	p0 =	seq.s32 s7, s2  }
0x1e: {  	s7 =	smul.u32 @!p0 $0xF7A, s2;
	p2 =	seq.s32 @!p0 s5, $0x0  }
0x1f: {  	s9 =	smul.u32 $0xF7A, s1;
	s8 =	simm.s32 @!p0 $0x1BF5;
	p2 =	por !p2, p0  }
0x20: {  	[sflag:s8] =	ssyncset.s32 @!p0 $0xFFFFF086;
	s6 =	sadd.s32 @!p0 s3, s7;
	s7 =	simm.s32 @!p0 $0x108  }
0x21: {  	s3 =	sadd.s32 s3, s9;
	s6 =	sadd.s32 @!p0 $0x88, s6;
	s7 =	simm.s32 @p2 $0x1082  }
0x22: {  	[simem:s7], [sflag:s8] =	dma.local @!p0 [hbm:s6], $0xF7A  }
0x23: {  	s9 =	sor.u32 $0xD0000000, s2;
	s6 =	simm.s32 $0x108;
	_ =	swait.ge @!p0 [sflag:s8], $0x0  }
0x24: {  	s3 =	sadd.s32 $0x88, s3;
	s6 =	simm.s32 @!p1 $0x1082;
	[sflag:s4] =	ssyncset.s32 $0xFFFFF086  }
0x25: {  	[simem:s6], [sflag:s4] =	dma.local [hbm:s3], $0xF7A  }
0x26: {  	[smem:$0x3F9F] =	sst s1;
	(tag) =	ssettag s2;
	_ =	strace s9  }
0x27: {  	s1 =	sld [smem:$0x3FAF]  }
0x28: {  	s2 =	sld [smem:$0x3FB0]  }
0x29: {  	s4 =	sld [smem:$0x3FB2]  }
0x2a: {  	p0 =	seq.s32 s5, $0x0;
	s5 =	sld [smem:$0x3FB3]  }
0x2b: {  	s6 =	sld [smem:$0x3FB4]  }
0x2c: {  	s7 =	sld [smem:$0x3FB5]  }
0x2d: {  	s3 =	simm.s32 $0x108;
	s8 =	sld [smem:$0x3FB6]  }
0x2e: {  	s3 =	simm.s32 @!p0 $0x1082;
	s9 =	sld [smem:$0x3FB7]  }
0x2f: {  	lr =	sadd.s32 s0, s3;
	s0 =	sld [smem:$0x3FAE]  }
0x30: {  	s3 =	sld [smem:$0x3FB1]  }
0x31: {  	[smem:$0x3FBA] =	sst s10  }
0x32: {  	s10 =	sld [smem:$0x3FB8];
	_ =	sdelay $0x3  }
0x33: {  	p0 =	seq.s32 s10, $0x1;
	s10 =	sld [smem:$0x3FBA];
	_ =	sdelay $0x3  }
0x34: {  	[smem:$0x3FBA] =	sst s10  }
0x35: {  	s10 =	sld [smem:$0x3FB9];
	_ =	sdelay $0x3  }
0x36: {  	p1 =	seq.s32 s10, $0x1;
	s10 =	sld [smem:$0x3FBA];
	_ =	sdelay $0x3  }
0x37: {  	[smem:$0x3FBA] =	sst s10  }
0x38: {  	s10 =	sld [smem:$0x3FBB]  }
0x39: {  	_ = 	snop;
	(pc) =	sbr.ind lr, $3  }
0x3a: {  	_ = 	snop  }
0x3b: {  	_ = 	snop  }
0x3c: {  	p2 =	seq.s32 s10, $0x1;
	s10 =	sld [smem:$0x3FBA]  }
0x3d: {  	_ =	shalt  }
0x3e: {  	_ =	shalt  }
0x3f: {  	_ =	shalt  }
0x40: {  	_ =	shalt  }
0x41: {  	_ =	shalt  }
0x42: {  	_ =	shalt  }
0x43: {  	_ =	shalt  }
0x44: {  	_ =	shalt  }
0x45: {  	_ =	shalt  }
0x46: {  	_ =	shalt  }
0x47: {  	_ =	shalt  }
0x48: {  	_ =	shalt  }
0x49: {  	_ =	shalt  }
0x4a: {  	_ =	shalt  }
0x4b: {  	_ =	shalt  }
0x4c: {  	_ =	shalt  }
0x4d: {  	_ =	shalt  }
0x4e: {  	_ =	shalt  }
0x4f: {  	_ =	shalt  }
0x50: {  	_ =	shalt  }
0x51: {  	_ =	shalt  }
0x52: {  	_ =	shalt  }
0x53: {  	_ =	shalt  }
0x54: {  	_ =	shalt  }
0x55: {  	_ =	shalt  }
0x56: {  	_ =	shalt  }
0x57: {  	_ =	shalt  }
0x58: {  	_ =	shalt  }
0x59: {  	_ =	shalt  }
0x5a: {  	_ =	shalt  }
0x5b: {  	_ =	shalt  }
0x5c: {  	_ =	shalt  }
0x5d: {  	_ =	shalt  }
0x5e: {  	_ =	shalt  }
0x5f: {  	_ =	shalt  }
0x60: {  	_ =	shalt  }
0x61: {  	_ =	shalt  }
0x62: {  	_ =	shalt  }
0x63: {  	_ =	shalt  }
0x64: {  	_ =	shalt  }
0x65: {  	_ =	shalt  }
0x66: {  	_ =	shalt  }
0x67: {  	_ =	shalt  }
0x68: {  	_ =	shalt  }
0x69: {  	_ =	shalt  }
0x6a: {  	_ =	shalt  }
0x6b: {  	_ =	shalt  }
0x6c: {  	_ =	shalt  }
0x6d: {  	_ =	shalt  }
0x6e: {  	_ =	shalt  }
0x6f: {  	_ =	shalt  }
0x70: {  	_ =	shalt  }
0x71: {  	_ =	shalt  }
0x72: {  	_ =	shalt  }
0x73: {  	_ =	shalt  }
0x74: {  	_ =	shalt  }
0x75: {  	_ =	shalt  }
0x76: {  	_ =	shalt  }
0x77: {  	_ =	shalt  }
0x78: {  	_ =	shalt  }
0x79: {  	_ =	shalt  }
0x7a: {  	_ =	shalt  }
0x7b: {  	_ =	shalt  }
0x7c: {  	_ =	shalt  }
0x7d: {  	_ =	shalt  }
0x7e: {  	_ =	shalt  }
0x7f: {  	_ =	shalt  }
0x80: {  	_ =	shalt  }
0x81: {  	_ =	shalt  }
0x82: {  	_ =	shalt  }
0x83: {  	_ =	shalt  }
0x84: {  	_ =	shalt  }
0x85: {  	_ =	shalt  }
0x86: {  	_ =	shalt  }
0x87: {  	_ =	shalt  }
.Lfunc_end0:
.L_simem_size_0:
called_computation_lowered:
.L_overlay_start_0:
0x88: {  	s2 =	sld [smem:$0x3FD9]  }
0x89: {  	s3 =	sld [smem:$0x3FFE];
	_ =	sdelay $0x1  }
0x8a: {  	s1 =	srdreg.scid  }
0x8b: {  	s0 =	sand.u32 $0x1, s1  }
0x8c: {  	s17 =	sshll.u32 s0, $0xA;
	s2 =	sadd.s32 s3, s2  }
0x8d: {  	s2 =	sadd.s32 s2, s17  }
0x8e: {  	[smem:$0x3FC6] =	sst s2  }
0x8f: {  	_ = 	snop  }
0x90: {  	s2 =	sld [smem:$0x3FC9]  }
0x91: {  	s18 =	sld [smem:$0x3FC8];
	(tm) =	ssettm $0x1  }
0x92: {  	s4 =	sld [smem:$0x3FFB];
	_ =	sdelay $0x3  }
0x93: {  	_ =	strace s4  }
0x94: {  	s4 =	sld [smem:$0x3FFC];
	_ =	sdelay $0x3  }
0x95: {  	_ =	strace s4  }
0x96: {  	s4 =	sld [smem:$0x3FFD];
	_ =	sdelay $0x3  }
0x97: {  	_ =	strace s4  }
0x98: {  	_ =	strace $0x8FFFFFFF  }
0x99: {  	s19 =	sld [smem:$0x3FDB];
	_ =	sdelay $0x1  }
0x9a: {  	s5 =	simm.s32 $_scs_section_size  }
0x9b: {  	s6 =	simm.s32 $_size__tile_overlayer_lowered;
	s7 =	simm.s32 $_tile_overlayer_lowered  }
0x9c: {  	s22 =	simm.s32 $0x1BFF;
	s21 =	sshll.u32 s7, $0x1;
	s4 =	sadd.s32 s5, s19  }
0x9d: {  	s8 =	simm.s32 $0x0;
	s20 =	sshll.u32 s6, $0x1;
	s6 =	sadd.s32 s21, s4  }
0x9e: {  	[timem:s8], [sflag:s22] =	dma.local [hbm:s6], s20  }
0x9f: {  	_ =	swait.ge [sflag:s22], s20  }
0xa0: {  	s5 =	ssub.s32 $0x0, s20;
	[sflag:s22] =	ssyncset.done $0x0  }
0xa1: {  	[sflag:s22] =	ssyncadd.s32 s5;
	_ =	sdelay $0x1  }
0xa2: {  	s23 =	simm.s32 $0x1B8B  }
0xa3: {  	_ =	swait.ge [sflag:s23], $0x1  }
0xa4: {  	[sflag:s23] =	ssyncset.done $0x0  }
0xa5: {  	s25 =	simm.s32 $0x1B8E;
	s24 =	sld [smem:$0x3FFE];
	[sflag:s23] =	ssyncadd.s32 $0xFFFFFFFF  }
0xa6: {  	s26 =	simm.s32 $execute0_lowered;
	[smem:$0x3FD2] =	sst s25  }
0xa7: {  	s6 =	sshll.u32 s26, $0x1;
	_ =	strace $0x80000046;
	[dreg:$0x1] =	wrdreg $0xFFFFFFFF  }
0xa8: {  	s28 =	simm.s32 $_size_execute0_lowered;
	s4 =	sadd.s32 s4, s6;
	[dreg:$0x0] =	wrdreg $0x0  }
0xa9: {  	s6 =	sshll.u32 s28, $0x1;
	[dreg:$0x2] =	wrdreg s4  }
0xaa: {  	[dreg:$0x3] =	wrdreg s6  }
0xab: {  	[dreg:$0x4] =	wrdreg $0xC0  }
0xac: {  	_ =	task [dreg:s8], $0x5FFFF  }
0xad: {  	[dreg:$0x1] =	wrdreg $0xFFFFFFFF  }
0xae: {  	[dreg:$0x0] =	wrdreg $0x60  }
0xaf: {  	[dreg:$0x2] =	wrdreg s2  }
0xb0: {  	[dreg:$0x3] =	wrdreg s18  }
0xb1: {  	[dreg:$0x4] =	wrdreg s24  }
0xb2: {  	[dreg:$0x5] =	wrdreg $0x9  }
0xb3: {  	_ =	task.clear_ibuf [dreg:s8], $0x6FFFF;
	_ =	strace $0x90000046  }
0xb4: {  	s29 =	simm.s32 $0x9;
	_ =	strace $0x80000048  }
0xb5: {  	_ =	swait.ge [sflag:s29], $0x1  }
0xb6: {  	[sflag:s29] =	ssyncadd.s32 $0xFFFFFFFF  }
0xb7: {  	_ =	strace $0x90000048  }
0xb8: {  	_ =	sfence  }
0xb9: {  	s30 =	sld [smem:$0x0];
	_ =	sdelay $0x2  }
0xba: {  	s31 =	sshll.u32 s1, $0xD;
	s1 =	sshrl.u32 s1, $0x2  }
0xbb: {  	s3 =	sand.u32 $0x4000, s31;
	s1 =	sadd.s32 s1, s30  }
0xbc: {  	s0 =	sor.u32 s3, s0;
	s1 =	sshll.u32 s1, $0x11  }
0xbd: {  	s0 =	sor.u32 s1, s0  }
0xbe: {  	s0 =	sadd.s32 $0x8F2B, s0  }
0xbf: {  	[sflag:s0] =	ssyncadd.remote.s32 $0x1  }
0xc0: {  	_ =	sfence.sel $0xFFFF  }
0xc1: {  	[dreg:$0x0] =	wrdreg $0xFFFFFFFF;
	(pc) =	sbr.abs _section_cstart, $3  }
0xc2: {  	[dreg:$0x1] =	wrdreg $0xFFFFFFFF  }
0xc3: {  	_ =	task.clear_ibuf [dreg:s8], $0x2FFFF;
	_ =	strace $0x9FFFFFFF  }
0xc4: {  	(tm) =	ssettm $0x7FFFFFFF  }
0xc5: {  	_ =	shalt  }
tec
execute0_lowered:
.L_overlay_start_1:
0x0: {  	(tag) =	ssettag $0x1  }
0x1: {  	s1 =	rddreg [dreg:$0x0]  }
0x2: {  	s2 =	rddreg [dreg:$0x1]  }
0x3: {  	s5 =	rddreg [dreg:$0x2]  }
0x4: {  	s0 =	rddreg [dreg:$0x3]  }
0x5: {  	s4 =	simm.s32 $0x0;
	s3 =	stileid.u32;
	s6 =	srdreg.scid  }
0x6: {  	s14 =	simm.s32 $0x4000;
	s15 =	simm.s32 $0xC000;
	s16 =	simm.s32 $0x1  }
0x7: {  	s17 =	simm.s32 $0x10000;
	s18 =	simm.s32 $0x2;
	s19 =	simm.s32 $0x80  }
0x8: {  	s20 =	simm.s32 $0x400;
	s21 =	simm.s32 $0x3;
	s22 =	simm.s32 $0x0  }
0x9: {  	[smem:$0x7FF] =	sst s4;
	s7 =	sshll.u32 s3, $0xB;
	s6 =	sand.u32 $0x1, s6  }
0xa: {  	s8 =	sshll.u32 s3, $0x1;
	_ =	strace $0x80000047;
	s7 =	sand.u32 $0x6000, s7  }
0xb: {  	s9 =	ssub.s32 $0x2, s6;
	s8 =	sor.u32 s6, s8;
	s11 =	sadd.s32 s7, s5  }
0xc: {  	s29 =	sshrl.u32 s9, $0x1;
	s30 =	sshll.u32 s8, $0xF;
	s10 =	sshll.u32 s8, $0x12  }
.Ltmp0:
0xd: {  	s13 =	sshll.u32 s8, $0x4;
	s12 =	ssub.s32 s9, s29;
	(pc) =	sbr.rel .LBB2_1-.Ltmp0, $4  }
0xe: {  	v0 =	vlaneseq.u32;
	s5 =	sadd.s32 s1, s30;
	s6 =	sadd.s32 s2, s30;
	s31 =	sor.u32 $0x800, s30  }
0xf: {  	v3 =	vmul.u32 $0x200, v0;
	s13 =	sand.u32 $0x70, s13;
	s9 =	sor.u32 $0x8000, s10;
	s10 =	sor.u32 $0xC000, s10  }
0x10: {  	v1 =	vimm.f32 $1.000000000e+00;
	s7 =	sadd.s32 s1, s31;
	s8 =	sadd.s32 s2, s31;
	s11 =	sadd.s32 s13, s11  }
0x11: {  	v0 =	vimm.f32 $0.0e+00;
	v2 =	vor.u32 $0x1FE, v3;
	v3 =	vor.u32 $0xFE, v3;
	s12 =	smax.u32 s12, $0x1;
	s13 =	simm.s32 $0x8000;
	s11 =	sadd.s32 $0x400, s11  }
.LBB2_10:
0x12: {  	s22 =	sadd.s32 $0x1, s22  }
0x13: {  	p0 =	sne.s32 s22, s12  }
.Ltmp1:
0x14: {  	_ = 	snop;
	(pc) =	sbr.rel @!p0 .LBB2_11-.Ltmp1, $4  }
0x15: {  	[hbm4b:s11+s19] =	stream.strided.scatter [tilespmem:s17], [sflag:$0x3], $0x2000, s20, s19, $0x38;
	[tilespmem:$0x12000] =	vst v63  }
0x16: {  	_ =	swait.ge [sflag:s21], $0x2000  }
0x17: {  	[sflag:s21] =	ssyncset.done $0x0  }
0x18: {  	[sflag:s21] =	ssyncadd.s32 $0xFFFFE000  }
.LBB2_1:
0x19: {  	s23 =	simm.s32 $0x40;
	s24 =	simm.s32 $0x0  }
.LBB2_2:
0x1a: {  	p0 =	sne.s32 s23, $0x7FC0;
	[tilespmem:s24+$0x10000] =	vst v0;
	s24 =	smov.u32 s23;
	s23 =	sadd.s32 $0x40, s23  }
.Ltmp2:
0x1b: {  	(pc) =	sbr.rel @p0 .LBB2_2-.Ltmp2, $2  }
0x1c: {  	_ =	sdelay $0x2  }
0x1d: {  	s24 =	sshra.s32 s24, $0x2  }
0x1e: {  	[tilespmem:s24+$0x10000] =	vst v0;
	s23 =	simm.s32 $0x0  }
0x1f: {  	[tilespmem:s23], [sflag:$0x1] =	stream.linear.gather [hbm4b:s5+s23], $0x4000, $0x38;
	[tilespmem:$0x12000] =	vst v63  }
0x20: {  	_ = 	snop  }
0x21: {  	[tilespmem:s13], [sflag:$0x1] =	stream.linear.gather [hbm4b:s6+s23], $0x4000, $0x38;
	[tilespmem:$0x12000] =	vst v63  }
0x22: {  	_ = 	snop  }
0x23: {  	[tilespmem:s14], [sflag:$0x2] =	stream.linear.gather [hbm4b:s7+s23], $0x4000, $0x38;
	[tilespmem:$0x12000] =	vst v63  }
0x24: {  	s24 =	simm.s32 $0x0  }
0x25: {  	[tilespmem:s15], [sflag:$0x2] =	stream.linear.gather [hbm4b:s8+s23], $0x4000, $0x38;
	[tilespmem:$0x12000] =	vst v63  }
.LBB2_4:
0x26: {  	_ =	swait.ge [sflag:s16], $0x4000  }
0x27: {  	[sflag:s16] =	ssyncset.done $0x0  }
0x28: {  	s25 =	simm.s32 $0x0;
	s26 =	sand.u32 $0x800, s23;
	[sflag:s16] =	ssyncadd.s32 $0xFFFFC000  }
0x29: {  	s28 =	simm.s32 $0x0;
	s25 =	sand.u32 $0x3000, s25;
	_ =	swait.ge [sflag:s16], $0x4000  }
0x2a: {  	s31 =	sand.u32 $0x380, s28;
	s25 =	sor.u32 s26, s25;
	[sflag:s16] =	ssyncset.done $0x0  }
0x2b: {  	s25 =	sor.u32 s31, s25;
	[sflag:s16] =	ssyncadd.s32 $0xFFFFC000  }
0x2c: {  	v4 =	vld [tilespmem:s25+$0x470]  }
0x2d: {  	v5 =	vld [tilespmem:s25+$0x0]  }
0x2e: {  	v6 =	vld [tilespmem:s25+$0x10]  }
0x2f: {  	v7 =	vld [tilespmem:s25+$0x20]  }
0x30: {  	v8 =	vld [tilespmem:s25+$0x30]  }
0x31: {  	v9 =	vld [tilespmem:s25+$0x40];
	v4 =	vsub.f32 $0.0e+00, v4  }
0x32: {  	v10 =	vld [tilespmem:s25+$0x50];
	v5 =	vsub.f32 $0.0e+00, v5  }
0x33: {  	v11 =	vld [tilespmem:s25+$0x60];
	v6 =	vsub.f32 $0.0e+00, v6;
	v4 =	vmul.f32 $1.442695020e+00, v4  }
0x34: {  	v12 =	vld [tilespmem:s25+$0x70];
	v7 =	vsub.f32 $0.0e+00, v7;
	v5 =	vmul.f32 $1.442695020e+00, v5  }
0x35: {  	(erf) = vpow2.f32 v4;
	v4 =	vmul.f32 $1.442695020e+00, v6;
	v6 =	vsub.f32 $0.0e+00, v8  }
0x36: {  	v9 =	vsub.f32 $0.0e+00, v9;
	v7 =	vmul.f32 $1.442695020e+00, v7;
	v8 =	vld [tilespmem:s25+$0x400]  }
0x37: {  	v13 =	vld [tilespmem:s25+$0x410];
	(erf) = vpow2.f32 v5;
	v5 =	vmul.f32 $1.442695020e+00, v6;
	v6 =	vsub.f32 $0.0e+00, v10  }
0x38: {  	(erf) = vpow2.f32 v4;
	v4 =	vmul.f32 $1.442695020e+00, v9;
	v9 =	vsub.f32 $0.0e+00, v11  }
0x39: {  	(erf) = vpow2.f32 v7;
	v7 =	vsub.f32 $0.0e+00, v12;
	v6 =	vmul.f32 $1.442695020e+00, v6  }
0x3a: {  	(erf) = vpow2.f32 v5;
	v5 =	vmul.f32 $1.442695020e+00, v9  }
0x3b: {  	v8 =	vsub.f32 $0.0e+00, v8;
	(erf) = vpow2.f32 v4;
	v4 =	vmul.f32 $1.442695020e+00, v7  }
0x3c: {  	v7 =	vsub.f32 $0.0e+00, v13;
	(erf) = vpow2.f32 v6  }
0x3d: {  	v6 =	vmul.f32 $1.442695020e+00, v8;
	(erf) = vpow2.f32 v5  }
0x3e: {  	v7 =	vmul.f32 $1.442695020e+00, v7;
	(erf) = vpow2.f32 v4  }
0x3f: {  	v5 =	vld [tilespmem:s25+$0x420];
	v4 =	vpop (erf);
	(erf) = vpow2.f32 v6  }
0x40: {  	v8 =	vld [tilespmem:s25+$0x430];
	v4 =	vadd.f32 $1.000000000e+00, v4;
	v9 =	vpop (erf);
	(erf) = vpow2.f32 v7  }
0x41: {  	v6 =	vld [tilespmem:s25+$0x440];
	v10 =	vpop (erf)  }
0x42: {  	v7 =	vld [tilespmem:s25+$0x450];
	(erf) = vrcp.f32 v4;
	v11 =	vpop (erf)  }
0x43: {  	v4 =	vld [tilespmem:s25+$0x460];
	v12 =	vpop (erf)  }
0x44: {  	v15 =	vld [tilespmem:s25+$0x8000];
	v5 =	vsub.f32 $0.0e+00, v5;
	v13 =	vpop (erf)  }
0x45: {  	v17 =	vld [tilespmem:s25+$0x8010];
	v8 =	vsub.f32 $0.0e+00, v8;
	v14 =	vpop (erf)  }
0x46: {  	v20 =	vld [tilespmem:s25+$0x8020];
	v6 =	vsub.f32 $0.0e+00, v6;
	v5 =	vmul.f32 $1.442695020e+00, v5;
	v16 =	vpop (erf)  }
0x47: {  	v8 =	vmul.f32 $1.442695020e+00, v8;
	v7 =	vsub.f32 $0.0e+00, v7;
	v18 =	vpop (erf)  }
0x48: {  	v6 =	vmul.f32 $1.442695020e+00, v6;
	v4 =	vsub.f32 $0.0e+00, v4;
	v19 =	vpop (erf);
	(erf) = vpow2.f32 v5  }
0x49: {  	vm4 =	vgt.f32 v15, $5.019608140e-01;
	v7 =	vmul.f32 $1.442695020e+00, v7;
	v21 =	vpop (erf);
	(erf) = vpow2.f32 v8  }
0x4a: {  	vm0 =	vgt.f32 v17, $5.019608140e-01;
	v4 =	vmul.f32 $1.442695020e+00, v4;
	(erf) = vpow2.f32 v6  }
0x4b: {  	vm1 =	vgt.f32 v20, $5.019608140e-01;
	v9 =	vadd.f32 $1.000000000e+00, v9;
	v8 =	vpop (erf);
	(erf) = vpow2.f32 v7  }
0x4c: {  	v10 =	vadd.f32 $1.000000000e+00, v10;
	v5 =	vld [tilespmem:s25+$0x8030];
	v6 =	vmul.f32 $2.550000000e+02, v8;
	(erf) = vpow2.f32 v4  }
0x4d: {  	v11 =	vadd.f32 $1.000000000e+00, v11;
	v12 =	vadd.f32 $1.000000000e+00, v12;
	v7 =	vld [tilespmem:s25+$0x8470];
	(erf) = vrcp.f32 v9  }
0x4e: {  	v8 =	vadd.f32 $1.000000000e+00, v13;
	v13 =	vld [tilespmem:s25+$0x8040];
	v4 =	vtrunc.f32 v6;
	(erf) = vrcp.f32 v10  }
0x4f: {  	v14 =	vadd.f32 $1.000000000e+00, v14;
	v4 =	vcvt.f32.s32 v4;
	(erf) = vrcp.f32 v11  }
0x50: {  	v15 =	vadd.f32 $1.000000000e+00, v18;
	v9 =	vadd.f32 $1.000000000e+00, v16;
	v10 =	vld [tilespmem:s25+$0x8060];
	(erf) = vrcp.f32 v12  }
0x51: {  	vm2 =	vgt.f32 v5, $5.019608140e-01;
	v6 =	vld [tilespmem:s25+$0x8050];
	vm3 =	vgt.s32 v4, $0x0;
	(erf) = vrcp.f32 v8  }
0x52: {  	v8 =	vpop (erf);
	v11 =	vnsel vm3, $0x0, v4;
	vm3 =	vgt.f32 v7, $5.019608140e-01;
	(erf) = vrcp.f32 v14  }
0x53: {  	v7 =	vld [tilespmem:s25+$0x8070];
	v12 =	vsel vm3, v3, v2;
	vm3 =	vgt.f32 v13, $5.019608140e-01;
	v13 =	vadd.f32 $1.000000000e+00, v19  }
0x54: {  	v5 =	vsel vm0, v3, v2;
	v14 =	vpop (erf);
	v4 =	vsel vm4, v3, v2;
	(erf) = vrcp.f32 v9  }
0x55: {  	v9 =	vpop (erf);
	vm0 =	vgt.f32 v10, $5.019608140e-01;
	v10 =	vadd.f32 $1.000000000e+00, v21;
	(erf) = vrcp.f32 v15  }
0x56: {  	v16 =	vld [tilespmem:s25+$0x8400];
	v8 =	vadd.f32 $1.000000000e+00, v8;
	vm4 =	vgt.f32 v6, $5.019608140e-01;
	v15 =	vpop (erf);
	(erf) = vrcp.f32 v13  }
0x57: {  	v6 =	vsel vm1, v3, v2;
	v14 =	vadd.f32 $1.000000000e+00, v14;
	v13 =	vpop (erf);
	(erf) = vrcp.f32 v10  }
0x58: {  	v9 =	vadd.f32 $1.000000000e+00, v9;
	vm1 =	vgt.f32 v7, $5.019608140e-01;
	v18 =	vpop (erf);
	(erf) = vrcp.f32 v8  }
0x59: {  	v17 =	vld [tilespmem:s25+$0x8410];
	v8 =	vadd.f32 $1.000000000e+00, v15;
	v10 =	vpop (erf);
	(erf) = vrcp.f32 v14;
	v14 =	vmul.f32 $2.550000000e+02, v18  }
0x5a: {  	v7 =	vsel vm2, v3, v2;
	v15 =	vpop (erf);
	(erf) = vrcp.f32 v9;
	v10 =	vmul.f32 $2.550000000e+02, v10  }
0x5b: {  	vm2 =	vgt.f32 v16, $5.019608140e-01;
	v16 =	vpop (erf);
	(erf) = vrcp.f32 v8;
	v15 =	vmul.f32 $2.550000000e+02, v15  }
0x5c: {  	v19 =	vld [tilespmem:s25+$0x8420];
	v13 =	vadd.f32 $1.000000000e+00, v13;
	v22 =	vtrunc.f32 v14;
	v16 =	vmul.f32 $2.550000000e+02, v16  }
0x5d: {  	v8 =	vsel vm3, v3, v2;
	v9 =	vpop (erf);
	v23 =	vtrunc.f32 v10;
	v22 =	vcvt.f32.s32 v22  }
0x5e: {  	vm3 =	vgt.f32 v17, $5.019608140e-01;
	v17 =	vpop (erf);
	(erf) = vrcp.f32 v13;
	v18 =	vmul.f32 $2.550000000e+02, v9  }
0x5f: {  	v25 =	vtrunc.f32 v15;
	v23 =	vcvt.f32.s32 v23  }
0x60: {  	v21 =	vld [tilespmem:s25+$0x8440];
	v9 =	vsel vm4, v3, v2;
	v20 =	vpop (erf);
	v17 =	vmul.f32 $2.550000000e+02, v17;
	v26 =	vtrunc.f32 v16  }
0x61: {  	v13 =	vld [tilespmem:s25+$0x8430];
	vm4 =	vgt.f32 v19, $5.019608140e-01;
	v25 =	vcvt.f32.s32 v25;
	v19 =	vmul.f32 $2.550000000e+02, v20  }
0x62: {  	v24 =	vld [tilespmem:s25+$0x8450];
	v20 =	vpop (erf);
	v18 =	vtrunc.f32 v18;
	v26 =	vcvt.f32.s32 v26  }
0x63: {  	v11 =	vmin.u32 v11, $0xFE;
	v14 =	vmul.f32 $2.550000000e+02, v20;
	v20 =	vpop (erf);
	v17 =	vtrunc.f32 v17  }
0x64: {  	v32 =	vsub.s32 v12, v11;
	v33 =	vcvt.f32.s32 v18;
	v20 =	vmul.f32 $2.550000000e+02, v20  }
0x65: {  	v27 =	vld [tilespmem:s25+$0x8460];
	vm6 =	vgt.f32 v21, $5.019608140e-01;
	v10 =	vpop (erf);
	v19 =	vtrunc.f32 v19;
	v34 =	vcvt.f32.s32 v17  }
0x66: {  	v15 =	vmul.f32 $2.550000000e+02, v10;
	v10 =	vsel vm0, v3, v2;
	vm5 =	vgt.f32 v13, $5.019608140e-01  }
0x67: {  	v11 =	vpop (erf);
	vm0 =	vgt.f32 v24, $5.019608140e-01;
	v24 =	vtrunc.f32 v14;
	v35 =	vcvt.f32.s32 v19  }
0x68: {  	v14 =	vsel vm4, v3, v2;
	v16 =	vmul.f32 $2.550000000e+02, v11;
	v11 =	vpop (erf);
	v20 =	vtrunc.f32 v20  }
0x69: {  	vm4 =	vgt.s32 v25, $0x0;
	v36 =	vcvt.f32.s32 v24;
	v28 =	vmul.f32 $2.550000000e+02, v11  }
0x6a: {  	v12 =	vpop (erf);
	v11 =	vsel vm1, v3, v2;
	v31 =	vtrunc.f32 v15;
	vm1 =	vgt.f32 v27, $5.019608140e-01  }
0x6b: {  	v15 =	vsel vm5, v3, v2;
	v20 =	vcvt.f32.s32 v20;
	v21 =	vmul.f32 $2.550000000e+02, v12;
	v12 =	vpop (erf)  }
0x6c: {  	v27 =	vtrunc.f32 v16;
	v16 =	vsel vm6, v3, v2;
	v29 =	vmul.f32 $2.550000000e+02, v12  }
0x6d: {  	v13 =	vpop (erf);
	v12 =	vsel vm2, v3, v2;
	v28 =	vtrunc.f32 v28;
	vm2 =	vgt.s32 v22, $0x0  }
0x6e: {  	v37 =	vcvt.f32.s32 v27;
	v30 =	vmul.f32 $2.550000000e+02, v13;
	v13 =	vsel vm3, v3, v2  }
0x6f: {  	v21 =	vtrunc.f32 v21;
	vm3 =	vgt.s32 v23, $0x0;
	v24 =	vnsel vm2, $0x0, v22  }
0x70: {  	vm2 =	vgt.s32 v26, $0x0;
	v22 =	vcvt.f32.s32 v31;
	v38 =	vcvt.f32.s32 v28  }
0x71: {  	v31 =	vnsel vm4, $0x0, v25;
	vm4 =	vgt.s32 v34, $0x0;
	v29 =	vtrunc.f32 v29  }
0x72: {  	v27 =	vnsel vm3, $0x0, v23;
	vm3 =	vgt.s32 v33, $0x0;
	v18 =	vcvt.f32.s32 v21  }
0x73: {  	v28 =	vnsel vm2, $0x0, v26;
	vm2 =	vgt.s32 v35, $0x0;
	vm5 =	vgt.s32 v37, $0x0  }
0x74: {  	v30 =	vtrunc.f32 v30;
	v19 =	vcvt.f32.s32 v29;
	v29 =	vnsel vm3, $0x0, v33  }
0x75: {  	vm3 =	vgt.s32 v36, $0x0;
	v26 =	vnsel vm2, $0x0, v35;
	vm2 =	vgt.s32 v22, $0x0  }
0x76: {  	vm6 =	vgt.s32 v38, $0x0;
	v17 =	vcvt.f32.s32 v30;
	v30 =	vnsel vm4, $0x0, v34  }
0x77: {  	vm4 =	vgt.s32 v20, $0x0;
	v25 =	vnsel vm3, $0x0, v36;
	v22 =	vnsel vm2, $0x0, v22  }
0x78: {  	vm3 =	vgt.s32 v18, $0x0;
	v21 =	vnsel vm6, $0x0, v38;
	v23 =	vnsel vm4, $0x0, v20  }
0x79: {  	s26 =	simm.s32 $0x0;
	[tilespmem:v32+s17+$0x0] =	vst.idx.add.f32.msk $0xffff, v1;
	s25 =	simm.s32 $0x0;
	v20 =	vnsel vm5, $0x0, v37;
	vm4 =	vgt.s32 v19, $0x0;
	vm2 =	vgt.s32 v17, $0x0  }
.LBB2_5:
0x7a: {  	s25 =	sadd.s32 $0x10, s25  }
0x7b: {  	s26 =	sadd.s32 $0x800, s26;
	s28 =	sshll.u32 s25, $0x4  }
0x7c: {  	s29 =	sand.u32 $0x800, s26;
	s30 =	sshll.u32 s25, $0x2;
	s28 =	sand.u32 $0x3000, s28  }
0x7d: {  	v18 =	vnsel vm3, $0x0, v18;
	v19 =	vnsel vm4, $0x0, v19;
	s31 =	sand.u32 $0x380, s30;
	s28 =	sor.u32 s29, s28  }
0x7e: {  	v17 =	vnsel vm2, $0x0, v17;
	v24 =	vmin.u32 v24, $0xFE;
	v27 =	vmin.u32 v27, $0xFE;
	s28 =	sor.u32 s31, s28  }
0x7f: {  	v31 =	vmin.u32 v31, $0xFE;
	v28 =	vmin.u32 v28, $0xFE;
	v29 =	vmin.u32 v29, $0xFE;
	v36 =	vld [tilespmem:s28+$0x470]  }
0x80: {  	v30 =	vmin.u32 v30, $0xFE;
	v26 =	vmin.u32 v26, $0xFE;
	v25 =	vmin.u32 v25, $0xFE;
	v40 =	vld [tilespmem:s28+$0x0]  }
0x81: {  	v32 =	vmin.u32 v23, $0xFE;
	v33 =	vmin.u32 v22, $0xFE;
	v34 =	vmin.u32 v20, $0xFE;
	v42 =	vld [tilespmem:s28+$0x10]  }
0x82: {  	v35 =	vmin.u32 v21, $0xFE;
	v41 =	vsel vm1, v3, v2;
	v22 =	vsub.s32 v5, v27;
	v27 =	vld [tilespmem:s28+$0x20]  }
0x83: {  	v37 =	vmin.u32 v18, $0xFE;
	v39 =	vmin.u32 v17, $0xFE;
	v17 =	vsub.s32 v10, v26;
	v26 =	vld [tilespmem:s28+$0x30]  }
0x84: {  	v38 =	vmin.u32 v19, $0xFE;
	v23 =	vsub.s32 v4, v24;
	v10 =	vsub.s32 v12, v32;
	v12 =	vld [tilespmem:s28+$0x40]  }
0x85: {  	v24 =	vsel vm0, v3, v2;
	v21 =	vsub.s32 v6, v31;
	v5 =	vsub.s32 v14, v34;
	v14 =	vld [tilespmem:s28+$0x50]  }
0x86: {  	v20 =	vsub.s32 v7, v28;
	v19 =	vsub.s32 v8, v29;
	v18 =	vsub.s32 v9, v30;
	v31 =	vld [tilespmem:s28+$0x8040]  }
0x87: {  	v11 =	vsub.s32 v11, v25;
	v9 =	vsub.s32 v13, v33;
	v4 =	vsub.s32 v15, v35;
	v48 =	vld [tilespmem:s28+$0x8060]  }
0x88: {  	v6 =	vsub.s32 v16, v37;
	v51 =	vld [tilespmem:s28+$0x8070];
	v8 =	vsub.f32 $0.0e+00, v36;
	v13 =	vsub.f32 $0.0e+00, v40  }
0x89: {  	v7 =	vsub.s32 v24, v38;
	v16 =	vld [tilespmem:s28+$0x60];
	v15 =	vsub.f32 $0.0e+00, v42;
	v25 =	vsub.f32 $0.0e+00, v27  }
0x8a: {  	v28 =	vld [tilespmem:s28+$0x400];
	v26 =	vsub.f32 $0.0e+00, v26;
	v12 =	vsub.f32 $0.0e+00, v12;
	v24 =	vmul.f32 $1.442695020e+00, v8  }
0x8b: {  	v27 =	vld [tilespmem:s28+$0x70];
	v14 =	vsub.f32 $0.0e+00, v14;
	vm9 =	vgt.f32 v31, $5.019608140e-01;
	v13 =	vmul.f32 $1.442695020e+00, v13  }
0x8c: {  	v31 =	vld [tilespmem:s28+$0x8440];
	vm2 =	vgt.f32 v48, $5.019608140e-01;
	v15 =	vmul.f32 $1.442695020e+00, v15;
	(erf) = vpow2.f32 v24  }
0x8d: {  	vm3 =	vgt.f32 v51, $5.019608140e-01;
	v24 =	vmul.f32 $1.442695020e+00, v25;
	v25 =	vld [tilespmem:s28+$0x410];
	(erf) = vpow2.f32 v13  }
0x8e: {  	v8 =	vsub.s32 v41, v39;
	v13 =	vmul.f32 $1.442695020e+00, v26;
	v26 =	vld [tilespmem:s28+$0x420];
	(erf) = vpow2.f32 v15  }
0x8f: {  	v12 =	vmul.f32 $1.442695020e+00, v12;
	v15 =	vsub.f32 $0.0e+00, v16;
	v16 =	vld [tilespmem:s28+$0x430];
	(erf) = vpow2.f32 v24  }
0x90: {  	v14 =	vmul.f32 $1.442695020e+00, v14;
	v24 =	vsub.f32 $0.0e+00, v27;
	v27 =	vld [tilespmem:s28+$0x440];
	(erf) = vpow2.f32 v13  }
0x91: {  	v13 =	vmul.f32 $1.442695020e+00, v15;
	v15 =	vsub.f32 $0.0e+00, v28;
	(erf) = vpow2.f32 v12  }
0x92: {  	vm14 =	vgt.f32 v31, $5.019608140e-01;
	v28 =	vld [tilespmem:s28+$0x450];
	v12 =	vmul.f32 $1.442695020e+00, v24;
	(erf) = vpow2.f32 v14  }
0x93: {  	v24 =	vsub.f32 $0.0e+00, v25;
	v25 =	vld [tilespmem:s28+$0x460];
	v26 =	vsub.f32 $0.0e+00, v26;
	(erf) = vpow2.f32 v13  }
0x94: {  	v14 =	vld [tilespmem:s28+$0x8000];
	v29 =	vmul.f32 $1.442695020e+00, v15;
	v16 =	vsub.f32 $0.0e+00, v16;
	(erf) = vpow2.f32 v12  }
0x95: {  	v13 =	vld [tilespmem:s28+$0x8010];
	v24 =	vmul.f32 $1.442695020e+00, v24;
	v26 =	vmul.f32 $1.442695020e+00, v26;
	v27 =	vsub.f32 $0.0e+00, v27;
	v15 =	vpop (erf)  }
0x96: {  	v12 =	vld [tilespmem:s28+$0x8020];
	(erf) = vpow2.f32 v29;
	v16 =	vmul.f32 $1.442695020e+00, v16;
	v15 =	vadd.f32 $1.000000000e+00, v15;
	v30 =	vpop (erf)  }
0x97: {  	v29 =	vld [tilespmem:s28+$0x8030];
	v28 =	vsub.f32 $0.0e+00, v28;
	v27 =	vmul.f32 $1.442695020e+00, v27;
	v46 =	vpop (erf);
	(erf) = vpow2.f32 v24  }
0x98: {  	v25 =	vsub.f32 $0.0e+00, v25;
	v24 =	vadd.f32 $1.000000000e+00, v30;
	v47 =	vpop (erf);
	(erf) = vrcp.f32 v15  }
0x99: {  	[tilespmem:v19+s17+$0x0] =	vst.idx.add.f32.msk $0xffff, v1;
	v28 =	vmul.f32 $1.442695020e+00, v28;
	vm5 =	vgt.f32 v14, $5.019608140e-01;
	v49 =	vpop (erf);
	(erf) = vpow2.f32 v26  }
0x9a: {  	v30 =	vld [tilespmem:s28+$0x8050];
	v15 =	vadd.f32 $1.000000000e+00, v46;
	v25 =	vmul.f32 $1.442695020e+00, v25;
	v52 =	vpop (erf);
	(erf) = vpow2.f32 v16  }
0x9b: {  	vm6 =	vgt.f32 v13, $5.019608140e-01;
	v26 =	vadd.f32 $1.000000000e+00, v47;
	v16 =	vld [tilespmem:s28+$0x8400];
	v53 =	vpop (erf);
	(erf) = vpow2.f32 v27  }
0x9c: {  	vm7 =	vgt.f32 v12, $5.019608140e-01;
	vm8 =	vgt.f32 v29, $5.019608140e-01;
	v29 =	vld [tilespmem:s28+$0x8430];
	v54 =	vpop (erf);
	(erf) = vpow2.f32 v28  }
0x9d: {  	v50 =	vadd.f32 $1.000000000e+00, v49;
	[tilespmem:v4+s17+$0x0] =	vst.idx.add.f32.msk $0xffff, v1;
	v4 =	vsel vm5, v3, v2;
	v55 =	vpop (erf);
	(erf) = vpow2.f32 v25  }
0x9e: {  	[tilespmem:v6+s17+$0x0] =	vst.idx.add.f32.msk $0xffff, v1;
	v6 =	vsel vm7, v3, v2;
	v14 =	vadd.f32 $1.000000000e+00, v52;
	(erf) = vrcp.f32 v24  }
0x9f: {  	v13 =	vadd.f32 $1.000000000e+00, v53;
	vm10 =	vgt.f32 v30, $5.019608140e-01;
	v30 =	vld [tilespmem:s28+$0x8460];
	v24 =	vpop (erf);
	(erf) = vrcp.f32 v15  }
0xa0: {  	[tilespmem:v8+s17+$0x0] =	vst.idx.add.f32.msk $0xffff, v1;
	v8 =	vsel vm9, v3, v2;
	v12 =	vadd.f32 $1.000000000e+00, v54;
	(erf) = vrcp.f32 v26;
	v26 =	vpop (erf)  }
0xa1: {  	[tilespmem:v11+s17+$0x0] =	vst.idx.add.f32.msk $0xffff, v1;
	v25 =	vadd.f32 $1.000000000e+00, v55;
	v24 =	vadd.f32 $1.000000000e+00, v24;
	(erf) = vrcp.f32 v50;
	v56 =	vpop (erf)  }
0xa2: {  	[tilespmem:v23+s17+$0x0] =	vst.idx.add.f32.msk $0xffff, v1;
	vm4 =	vgt.f32 v16, $5.019608140e-01;
	v16 =	vmul.f32 $2.550000000e+02, v56;
	(erf) = vrcp.f32 v14;
	v14 =	vpop (erf)  }
0xa3: {  	v23 =	vld [tilespmem:s28+$0x8470];
	vm13 =	vgt.f32 v29, $5.019608140e-01;
	v26 =	vadd.f32 $1.000000000e+00, v26;
	(erf) = vrcp.f32 v13;
	v13 =	vpop (erf)  }
0xa4: {  	[tilespmem:v22+s17+$0x0] =	vst.idx.add.f32.msk $0xffff, v1;
	v14 =	vadd.f32 $1.000000000e+00, v14;
	v16 =	vtrunc.f32 v16;
	(erf) = vrcp.f32 v12;
	v12 =	vpop (erf)  }
0xa5: {  	v15 =	vld [tilespmem:s28+$0x8450];
	v13 =	vadd.f32 $1.000000000e+00, v13;
	v16 =	vcvt.f32.s32 v16;
	(erf) = vrcp.f32 v25;
	v22 =	vpop (erf)  }
0xa6: {  	[tilespmem:v21+s17+$0x0] =	vst.idx.add.f32.msk $0xffff, v1;
	v12 =	vadd.f32 $1.000000000e+00, v12;
	v21 =	vadd.f32 $1.000000000e+00, v22;
	(erf) = vrcp.f32 v24;
	v22 =	vpop (erf)  }
0xa7: {  	[tilespmem:v20+s17+$0x0] =	vst.idx.add.f32.msk $0xffff, v1;
	v20 =	vadd.f32 $1.000000000e+00, v22;
	vm0 =	vgt.s32 v16, $0x0;
	v22 =	vpop (erf);
	(erf) = vrcp.f32 v26  }
0xa8: {  	[tilespmem:v18+s17+$0x0] =	vst.idx.add.f32.msk $0xffff, v1;
	v24 =	vnsel vm0, $0x0, v16;
	vm0 =	vgt.f32 v23, $5.019608140e-01;
	v19 =	vpop (erf);
	(erf) = vrcp.f32 v14  }
0xa9: {  	[tilespmem:v10+s17+$0x0] =	vst.idx.add.f32.msk $0xffff, v1;
	v23 =	vsel vm0, v3, v2;
	v18 =	vpop (erf);
	(erf) = vrcp.f32 v13;
	v13 =	vmul.f32 $2.550000000e+02, v22  }
0xaa: {  	v27 =	vld [tilespmem:s28+$0x8410];
	v11 =	vmul.f32 $2.550000000e+02, v19;
	vm0 =	vgt.f32 v15, $5.019608140e-01;
	v16 =	vpop (erf);
	(erf) = vrcp.f32 v12  }
0xab: {  	[tilespmem:v9+s17+$0x0] =	vst.idx.add.f32.msk $0xffff, v1;
	v10 =	vmul.f32 $2.550000000e+02, v18;
	v18 =	vimm.s32 $0x0;
	v12 =	vpop (erf);
	(erf) = vrcp.f32 v21  }
0xac: {  	v28 =	vld [tilespmem:s28+$0x8420];
	v9 =	vmul.f32 $2.550000000e+02, v16;
	v16 =	vsel vm0, $0xFFFFFFFF, v18;
	v18 =	vtrunc.f32 v11  }
0xad: {  	[tilespmem:v17+s17+$0x0] =	vst.idx.add.f32.msk $0xffff, v1;
	v14 =	vmin.u32 v24, $0xFE;
	v17 =	vpop (erf);
	(erf) = vrcp.f32 v20;
	v12 =	vmul.f32 $2.550000000e+02, v12  }
0xae: {  	v14 =	vsub.s32 v23, v14;
	[tilespmem:$0x1FFF0] =	vst v16;
	v19 =	vtrunc.f32 v10;
	v16 =	vmul.f32 $2.550000000e+02, v17  }
0xaf: {  	[tilespmem:v7+s17+$0x0] =	vst.idx.add.f32.msk $0xffff, v1;
	v7 =	vsel vm8, v3, v2;
	v15 =	vpop (erf);
	v17 =	vtrunc.f32 v13;
	v21 =	vtrunc.f32 v9  }
0xb0: {  	vm11 =	vgt.f32 v27, $5.019608140e-01;
	v58 =	vcvt.f32.s32 v19;
	v15 =	vmul.f32 $2.550000000e+02, v15  }
0xb1: {  	[tilespmem:v5+s17+$0x0] =	vst.idx.add.f32.msk $0xffff, v1;
	vm12 =	vgt.f32 v28, $5.019608140e-01;
	v5 =	vpop (erf);
	v23 =	vtrunc.f32 v12;
	v57 =	vcvt.f32.s32 v17  }
0xb2: {  	vm1 =	vgt.f32 v30, $5.019608140e-01;
	v21 =	vcvt.f32.s32 v21;
	v13 =	vmul.f32 $2.550000000e+02, v5  }
0xb3: {  	[tilespmem:v14+s17+$0x0] =	vst.idx.add.f32.msk $0xffff, v1;
	v14 =	vpop (erf);
	v5 =	vsel vm6, v3, v2;
	v25 =	vtrunc.f32 v16;
	v23 =	vcvt.f32.s32 v23  }
0xb4: {  	vm7 =	vgt.s32 v58, $0x0;
	v14 =	vmul.f32 $2.550000000e+02, v14;
	v26 =	vtrunc.f32 v15  }
0xb5: {  	v11 =	vpop (erf);
	vm5 =	vgt.s32 v57, $0x0;
	v25 =	vcvt.f32.s32 v25;
	vm8 =	vgt.s32 v21, $0x0  }
0xb6: {  	v20 =	vmul.f32 $2.550000000e+02, v11;
	v10 =	vpop (erf);
	v27 =	vtrunc.f32 v13;
	v13 =	vsel vm11, v3, v2  }
0xb7: {  	v26 =	vcvt.f32.s32 v26;
	vm9 =	vgt.s32 v23, $0x0;
	v22 =	vmul.f32 $2.550000000e+02, v10  }
0xb8: {  	v9 =	vpop (erf);
	v29 =	vtrunc.f32 v14;
	v14 =	vsel vm12, v3, v2;
	v59 =	vcvt.f32.s32 v27  }
0xb9: {  	v24 =	vmul.f32 $2.550000000e+02, v9;
	v9 =	vsel vm10, v3, v2;
	v20 =	vtrunc.f32 v20  }
0xba: {  	v10 =	vpop (erf);
	v60 =	vcvt.f32.s32 v29;
	vm10 =	vgt.s32 v25, $0x0;
	vm11 =	vgt.s32 v26, $0x0  }
0xbb: {  	v29 =	vnsel vm9, $0x0, v23;
	v16 =	vmul.f32 $2.550000000e+02, v10;
	v10 =	vsel vm2, v3, v2  }
0xbc: {  	v11 =	vpop (erf);
	v22 =	vtrunc.f32 v22;
	v20 =	vcvt.f32.s32 v20;
	vm12 =	vgt.s32 v59, $0x0  }
0xbd: {  	v26 =	vnsel vm11, $0x0, v26;
	v15 =	vmul.f32 $2.550000000e+02, v11;
	v12 =	vpop (erf);
	v24 =	vtrunc.f32 v24  }
0xbe: {  	v11 =	vsel vm3, v3, v2;
	v61 =	vcvt.f32.s32 v22;
	v28 =	vmul.f32 $2.550000000e+02, v12  }
0xbf: {  	v12 =	vsel vm4, v3, v2;
	v30 =	vtrunc.f32 v16;
	v16 =	vsel vm14, v3, v2  }
0xc0: {  	v62 =	vcvt.f32.s32 v24;
	vm14 =	vgt.s32 v20, $0x0;
	v24 =	vnsel vm5, $0x0, v57  }
0xc1: {  	v31 =	vtrunc.f32 v15;
	v15 =	vsel vm13, v3, v2;
	vm13 =	vgt.s32 v60, $0x0  }
0xc2: {  	vm15 =	vgt.s32 v61, $0x0;
	v17 =	vtrunc.f32 v28;
	v28 =	vcvt.f32.s32 v18  }
0xc3: {  	p0 =	slt.u32 s25, $0x3F0;
	v63 =	vld [tilespmem:$0x1FFF0];
	v22 =	vnsel vm14, $0x0, v20;
	v18 =	vcvt.f32.s32 v30;
	v19 =	vcvt.f32.s32 v31  }
.Ltmp3:
0xc4: {  	vm0 =	vgt.s32 v62, $0x0;
	v31 =	vnsel vm7, $0x0, v58;
	v30 =	vnsel vm10, $0x0, v25;
	(pc) =	sbr.rel @p0 .LBB2_5-.Ltmp3, $4  }
0xc5: {  	v25 =	vnsel vm12, $0x0, v59;
	v23 =	vnsel vm13, $0x0, v60;
	v17 =	vcvt.f32.s32 v17  }
0xc6: {  	v20 =	vnsel vm15, $0x0, v61;
	vm6 =	vgt.s32 v28, $0x0;
	vm3 =	vgt.s32 v18, $0x0  }
0xc7: {  	vm4 =	vgt.s32 v19, $0x0;
	vm2 =	vgt.s32 v17, $0x0;
	v27 =	vnsel vm6, $0x0, v28  }
0xc8: {  	v28 =	vnsel vm8, $0x0, v21;
	v21 =	vnsel vm0, $0x0, v62;
	vm0 =	vnez.u8 v63  }
0xc9: {  	v24 =	vmin.u32 v24, $0xFE  }
0xca: {  	v27 =	vmin.u32 v27, $0xFE;
	v4 =	vsub.s32 v4, v24  }
0xcb: {  	v24 =	vmin.u32 v31, $0xFE;
	v5 =	vsub.s32 v5, v27  }
0xcc: {  	v27 =	vmin.u32 v28, $0xFE;
	v6 =	vsub.s32 v6, v24  }
0xcd: {  	v24 =	vmin.u32 v29, $0xFE;
	v7 =	vsub.s32 v7, v27  }
0xce: {  	v27 =	vmin.u32 v30, $0xFE;
	v8 =	vsub.s32 v8, v24  }
0xcf: {  	v24 =	vmin.u32 v26, $0xFE;
	v9 =	vsub.s32 v9, v27;
	[tilespmem:v4+s17+$0x0] =	vst.idx.add.f32.msk $0xffff, v1  }
0xd0: {  	v10 =	vsub.s32 v10, v24;
	v4 =	vmin.u32 v25, $0xFE;
	[tilespmem:v5+s17+$0x0] =	vst.idx.add.f32.msk $0xffff, v1  }
0xd1: {  	v5 =	vmin.u32 v23, $0xFE;
	v4 =	vsub.s32 v11, v4;
	[tilespmem:v6+s17+$0x0] =	vst.idx.add.f32.msk $0xffff, v1  }
0xd2: {  	v6 =	vmin.u32 v22, $0xFE;
	v5 =	vsub.s32 v12, v5;
	[tilespmem:v7+s17+$0x0] =	vst.idx.add.f32.msk $0xffff, v1  }
0xd3: {  	v7 =	vnsel vm3, $0x0, v18;
	v11 =	vmin.u32 v20, $0xFE;
	v6 =	vsub.s32 v13, v6;
	[tilespmem:v8+s17+$0x0] =	vst.idx.add.f32.msk $0xffff, v1  }
0xd4: {  	v12 =	vmin.u32 v21, $0xFE;
	v8 =	vnsel vm4, $0x0, v19;
	v11 =	vsub.s32 v14, v11;
	[tilespmem:v9+s17+$0x0] =	vst.idx.add.f32.msk $0xffff, v1  }
0xd5: {  	v9 =	vnsel vm2, $0x0, v17;
	v7 =	vmin.u32 v7, $0xFE;
	v12 =	vsub.s32 v15, v12;
	[tilespmem:v10+s17+$0x0] =	vst.idx.add.f32.msk $0xffff, v1  }
0xd6: {  	v8 =	vmin.u32 v8, $0xFE;
	v10 =	vsel vm0, v3, v2;
	v7 =	vsub.s32 v16, v7;
	[tilespmem:v4+s17+$0x0] =	vst.idx.add.f32.msk $0xffff, v1  }
0xd7: {  	v8 =	vsub.s32 v10, v8;
	v4 =	vmin.u32 v9, $0xFE;
	v9 =	vsel vm1, v3, v2;
	[tilespmem:v5+s17+$0x0] =	vst.idx.add.f32.msk $0xffff, v1  }
0xd8: {  	v4 =	vsub.s32 v9, v4;
	[tilespmem:v6+s17+$0x0] =	vst.idx.add.f32.msk $0xffff, v1  }
0xd9: {  	[tilespmem:v11+s17+$0x0] =	vst.idx.add.f32.msk $0xffff, v1  }
0xda: {  	s25 =	sshll.u32 s24, $0xF;
	p0 =	seq.s32 s24, $0x7;
	[tilespmem:v12+s17+$0x0] =	vst.idx.add.f32.msk $0xffff, v1  }
0xdb: {  	s26 =	sadd.s32 @!p0 s25, s9;
	[tilespmem:v7+s17+$0x0] =	vst.idx.add.f32.msk $0xffff, v1  }
0xdc: {  	s26 =	sshrl.u32 @!p0 s26, $0x3;
	[tilespmem:v8+s17+$0x0] =	vst.idx.add.f32.msk $0xffff, v1  }
0xdd: {  	s29 =	simm.s32 @!p0 $0x0;
	s28 =	sadd.s32 @!p0 s1, s26;
	[tilespmem:v4+s17+$0x0] =	vst.idx.add.f32.msk $0xffff, v1  }
0xde: {  	[tilespmem:s29], [sflag:$0x1] =	stream.linear.gather @!p0 [hbm4b:s28+s29], $0x4000, $0x38;
	[tilespmem:$0x12000] =	vst v63  }
0xdf: {  	s26 =	sadd.s32 @!p0 s2, s26;
	s28 =	simm.s32 @!p0 $0x8000  }
0xe0: {  	[tilespmem:s28], [sflag:$0x1] =	stream.linear.gather @!p0 [hbm4b:s26+s29], $0x4000, $0x38;
	[tilespmem:$0x12000] =	vst v63  }
0xe1: {  	_ =	swait.ge [sflag:s18], $0x4000  }
0xe2: {  	s30 =	simm.s32 $0x0;
	[sflag:s18] =	ssyncset.done $0x0  }
0xe3: {  	s26 =	simm.s32 $0x0;
	s28 =	simm.s32 $0x0;
	[sflag:s18] =	ssyncadd.s32 $0xFFFFC000  }
0xe4: {  	s28 =	sand.u32 $0x3000, s28;
	s31 =	sand.u32 $0x800, s26;
	_ =	swait.ge [sflag:s18], $0x4000  }
0xe5: {  	s28 =	sor.u32 s31, s28;
	s31 =	sand.u32 $0x380, s30;
	[sflag:s18] =	ssyncset.done $0x0  }
0xe6: {  	s28 =	sor.u32 s31, s28;
	[sflag:s18] =	ssyncadd.s32 $0xFFFFC000  }
0xe7: {  	v4 =	vld [tilespmem:s28+$0x4470]  }
0xe8: {  	v5 =	vld [tilespmem:s28+$0x4000]  }
0xe9: {  	v6 =	vld [tilespmem:s28+$0x4010]  }
0xea: {  	v7 =	vld [tilespmem:s28+$0x4020]  }
0xeb: {  	v8 =	vld [tilespmem:s28+$0x4030]  }
0xec: {  	v9 =	vld [tilespmem:s28+$0x4040];
	v4 =	vsub.f32 $0.0e+00, v4  }
0xed: {  	v10 =	vld [tilespmem:s28+$0x4050];
	v5 =	vsub.f32 $0.0e+00, v5  }
0xee: {  	v11 =	vld [tilespmem:s28+$0x4060];
	v6 =	vsub.f32 $0.0e+00, v6;
	v4 =	vmul.f32 $1.442695020e+00, v4  }
0xef: {  	v12 =	vld [tilespmem:s28+$0x4070];
	v7 =	vsub.f32 $0.0e+00, v7;
	v5 =	vmul.f32 $1.442695020e+00, v5  }
0xf0: {  	(erf) = vpow2.f32 v4;
	v4 =	vmul.f32 $1.442695020e+00, v6;
	v6 =	vsub.f32 $0.0e+00, v8  }
0xf1: {  	v9 =	vsub.f32 $0.0e+00, v9;
	v7 =	vmul.f32 $1.442695020e+00, v7;
	v8 =	vld [tilespmem:s28+$0x4400]  }
0xf2: {  	v13 =	vld [tilespmem:s28+$0x4410];
	(erf) = vpow2.f32 v5;
	v5 =	vmul.f32 $1.442695020e+00, v6;
	v6 =	vsub.f32 $0.0e+00, v10  }
0xf3: {  	(erf) = vpow2.f32 v4;
	v4 =	vmul.f32 $1.442695020e+00, v9;
	v9 =	vsub.f32 $0.0e+00, v11  }
0xf4: {  	(erf) = vpow2.f32 v7;
	v7 =	vsub.f32 $0.0e+00, v12;
	v6 =	vmul.f32 $1.442695020e+00, v6  }
0xf5: {  	(erf) = vpow2.f32 v5;
	v5 =	vmul.f32 $1.442695020e+00, v9  }
0xf6: {  	v8 =	vsub.f32 $0.0e+00, v8;
	(erf) = vpow2.f32 v4;
	v4 =	vmul.f32 $1.442695020e+00, v7  }
0xf7: {  	v7 =	vsub.f32 $0.0e+00, v13;
	(erf) = vpow2.f32 v6  }
0xf8: {  	v6 =	vmul.f32 $1.442695020e+00, v8;
	(erf) = vpow2.f32 v5  }
0xf9: {  	v7 =	vmul.f32 $1.442695020e+00, v7;
	(erf) = vpow2.f32 v4  }
0xfa: {  	v5 =	vld [tilespmem:s28+$0x4420];
	v4 =	vpop (erf);
	(erf) = vpow2.f32 v6  }
0xfb: {  	v8 =	vld [tilespmem:s28+$0x4430];
	v4 =	vadd.f32 $1.000000000e+00, v4;
	v9 =	vpop (erf);
	(erf) = vpow2.f32 v7  }
0xfc: {  	v6 =	vld [tilespmem:s28+$0x4440];
	v10 =	vpop (erf)  }
0xfd: {  	v7 =	vld [tilespmem:s28+$0x4450];
	(erf) = vrcp.f32 v4;
	v11 =	vpop (erf)  }
0xfe: {  	v4 =	vld [tilespmem:s28+$0x4460];
	v12 =	vpop (erf)  }
0xff: {  	v15 =	vld [tilespmem:s28+$0xC000];
	v5 =	vsub.f32 $0.0e+00, v5;
	v13 =	vpop (erf)  }
0x100: {  	v17 =	vld [tilespmem:s28+$0xC010];
	v8 =	vsub.f32 $0.0e+00, v8;
	v14 =	vpop (erf)  }
0x101: {  	v20 =	vld [tilespmem:s28+$0xC020];
	v6 =	vsub.f32 $0.0e+00, v6;
	v5 =	vmul.f32 $1.442695020e+00, v5;
	v16 =	vpop (erf)  }
0x102: {  	v8 =	vmul.f32 $1.442695020e+00, v8;
	v7 =	vsub.f32 $0.0e+00, v7;
	v18 =	vpop (erf)  }
0x103: {  	v6 =	vmul.f32 $1.442695020e+00, v6;
	v4 =	vsub.f32 $0.0e+00, v4;
	v19 =	vpop (erf);
	(erf) = vpow2.f32 v5  }
0x104: {  	vm4 =	vgt.f32 v15, $5.019608140e-01;
	v7 =	vmul.f32 $1.442695020e+00, v7;
	v21 =	vpop (erf);
	(erf) = vpow2.f32 v8  }
0x105: {  	vm0 =	vgt.f32 v17, $5.019608140e-01;
	v4 =	vmul.f32 $1.442695020e+00, v4;
	(erf) = vpow2.f32 v6  }
0x106: {  	vm1 =	vgt.f32 v20, $5.019608140e-01;
	v9 =	vadd.f32 $1.000000000e+00, v9;
	v8 =	vpop (erf);
	(erf) = vpow2.f32 v7  }
0x107: {  	v10 =	vadd.f32 $1.000000000e+00, v10;
	v5 =	vld [tilespmem:s28+$0xC030];
	v6 =	vmul.f32 $2.550000000e+02, v8;
	(erf) = vpow2.f32 v4  }
0x108: {  	v11 =	vadd.f32 $1.000000000e+00, v11;
	v12 =	vadd.f32 $1.000000000e+00, v12;
	v7 =	vld [tilespmem:s28+$0xC470];
	(erf) = vrcp.f32 v9  }
0x109: {  	v8 =	vadd.f32 $1.000000000e+00, v13;
	v13 =	vld [tilespmem:s28+$0xC040];
	v4 =	vtrunc.f32 v6;
	(erf) = vrcp.f32 v10  }
0x10a: {  	v14 =	vadd.f32 $1.000000000e+00, v14;
	v4 =	vcvt.f32.s32 v4;
	(erf) = vrcp.f32 v11  }
0x10b: {  	v15 =	vadd.f32 $1.000000000e+00, v18;
	v9 =	vadd.f32 $1.000000000e+00, v16;
	v10 =	vld [tilespmem:s28+$0xC060];
	(erf) = vrcp.f32 v12  }
0x10c: {  	vm2 =	vgt.f32 v5, $5.019608140e-01;
	v6 =	vld [tilespmem:s28+$0xC050];
	vm3 =	vgt.s32 v4, $0x0;
	(erf) = vrcp.f32 v8  }
0x10d: {  	v8 =	vpop (erf);
	v11 =	vnsel vm3, $0x0, v4;
	vm3 =	vgt.f32 v7, $5.019608140e-01;
	(erf) = vrcp.f32 v14  }
0x10e: {  	v7 =	vld [tilespmem:s28+$0xC070];
	v12 =	vsel vm3, v3, v2;
	vm3 =	vgt.f32 v13, $5.019608140e-01;
	v13 =	vadd.f32 $1.000000000e+00, v19  }
0x10f: {  	v5 =	vsel vm0, v3, v2;
	v14 =	vpop (erf);
	v4 =	vsel vm4, v3, v2;
	(erf) = vrcp.f32 v9  }
0x110: {  	v9 =	vpop (erf);
	vm0 =	vgt.f32 v10, $5.019608140e-01;
	v10 =	vadd.f32 $1.000000000e+00, v21;
	(erf) = vrcp.f32 v15  }
0x111: {  	v16 =	vld [tilespmem:s28+$0xC400];
	v8 =	vadd.f32 $1.000000000e+00, v8;
	vm4 =	vgt.f32 v6, $5.019608140e-01;
	v15 =	vpop (erf);
	(erf) = vrcp.f32 v13  }
0x112: {  	v6 =	vsel vm1, v3, v2;
	v14 =	vadd.f32 $1.000000000e+00, v14;
	v13 =	vpop (erf);
	(erf) = vrcp.f32 v10  }
0x113: {  	v9 =	vadd.f32 $1.000000000e+00, v9;
	vm1 =	vgt.f32 v7, $5.019608140e-01;
	v18 =	vpop (erf);
	(erf) = vrcp.f32 v8  }
0x114: {  	v17 =	vld [tilespmem:s28+$0xC410];
	v8 =	vadd.f32 $1.000000000e+00, v15;
	v10 =	vpop (erf);
	(erf) = vrcp.f32 v14;
	v14 =	vmul.f32 $2.550000000e+02, v18  }
0x115: {  	v7 =	vsel vm2, v3, v2;
	v15 =	vpop (erf);
	(erf) = vrcp.f32 v9;
	v10 =	vmul.f32 $2.550000000e+02, v10  }
0x116: {  	vm2 =	vgt.f32 v16, $5.019608140e-01;
	v16 =	vpop (erf);
	(erf) = vrcp.f32 v8;
	v15 =	vmul.f32 $2.550000000e+02, v15  }
0x117: {  	v19 =	vld [tilespmem:s28+$0xC420];
	v13 =	vadd.f32 $1.000000000e+00, v13;
	v22 =	vtrunc.f32 v14;
	v16 =	vmul.f32 $2.550000000e+02, v16  }
0x118: {  	v8 =	vsel vm3, v3, v2;
	v9 =	vpop (erf);
	v23 =	vtrunc.f32 v10;
	v22 =	vcvt.f32.s32 v22  }
0x119: {  	vm3 =	vgt.f32 v17, $5.019608140e-01;
	v17 =	vpop (erf);
	(erf) = vrcp.f32 v13;
	v18 =	vmul.f32 $2.550000000e+02, v9  }
0x11a: {  	v25 =	vtrunc.f32 v15;
	v23 =	vcvt.f32.s32 v23  }
0x11b: {  	v21 =	vld [tilespmem:s28+$0xC440];
	v9 =	vsel vm4, v3, v2;
	v20 =	vpop (erf);
	v17 =	vmul.f32 $2.550000000e+02, v17;
	v26 =	vtrunc.f32 v16  }
0x11c: {  	v13 =	vld [tilespmem:s28+$0xC430];
	vm4 =	vgt.f32 v19, $5.019608140e-01;
	v25 =	vcvt.f32.s32 v25;
	v19 =	vmul.f32 $2.550000000e+02, v20  }
0x11d: {  	v24 =	vld [tilespmem:s28+$0xC450];
	v20 =	vpop (erf);
	v18 =	vtrunc.f32 v18;
	v26 =	vcvt.f32.s32 v26  }
0x11e: {  	v11 =	vmin.u32 v11, $0xFE;
	v14 =	vmul.f32 $2.550000000e+02, v20;
	v20 =	vpop (erf);
	v17 =	vtrunc.f32 v17  }
0x11f: {  	v32 =	vsub.s32 v12, v11;
	v33 =	vcvt.f32.s32 v18;
	v20 =	vmul.f32 $2.550000000e+02, v20  }
0x120: {  	v27 =	vld [tilespmem:s28+$0xC460];
	vm6 =	vgt.f32 v21, $5.019608140e-01;
	v10 =	vpop (erf);
	v19 =	vtrunc.f32 v19;
	v34 =	vcvt.f32.s32 v17  }
0x121: {  	v15 =	vmul.f32 $2.550000000e+02, v10;
	v10 =	vsel vm0, v3, v2;
	vm5 =	vgt.f32 v13, $5.019608140e-01  }
0x122: {  	v11 =	vpop (erf);
	vm0 =	vgt.f32 v24, $5.019608140e-01;
	v24 =	vtrunc.f32 v14;
	v35 =	vcvt.f32.s32 v19  }
0x123: {  	v14 =	vsel vm4, v3, v2;
	v16 =	vmul.f32 $2.550000000e+02, v11;
	v11 =	vpop (erf);
	v20 =	vtrunc.f32 v20  }
0x124: {  	vm4 =	vgt.s32 v25, $0x0;
	v36 =	vcvt.f32.s32 v24;
	v28 =	vmul.f32 $2.550000000e+02, v11  }
0x125: {  	v12 =	vpop (erf);
	v11 =	vsel vm1, v3, v2;
	v31 =	vtrunc.f32 v15;
	vm1 =	vgt.f32 v27, $5.019608140e-01  }
0x126: {  	v15 =	vsel vm5, v3, v2;
	v20 =	vcvt.f32.s32 v20;
	v21 =	vmul.f32 $2.550000000e+02, v12;
	v12 =	vpop (erf)  }
0x127: {  	v27 =	vtrunc.f32 v16;
	v16 =	vsel vm6, v3, v2;
	v29 =	vmul.f32 $2.550000000e+02, v12  }
0x128: {  	v13 =	vpop (erf);
	v12 =	vsel vm2, v3, v2;
	v28 =	vtrunc.f32 v28;
	vm2 =	vgt.s32 v22, $0x0  }
0x129: {  	v37 =	vcvt.f32.s32 v27;
	v30 =	vmul.f32 $2.550000000e+02, v13;
	v13 =	vsel vm3, v3, v2  }
0x12a: {  	v21 =	vtrunc.f32 v21;
	vm3 =	vgt.s32 v23, $0x0;
	v24 =	vnsel vm2, $0x0, v22  }
0x12b: {  	vm2 =	vgt.s32 v26, $0x0;
	v22 =	vcvt.f32.s32 v31;
	v38 =	vcvt.f32.s32 v28  }
0x12c: {  	v31 =	vnsel vm4, $0x0, v25;
	vm4 =	vgt.s32 v34, $0x0;
	v29 =	vtrunc.f32 v29  }
0x12d: {  	v27 =	vnsel vm3, $0x0, v23;
	vm3 =	vgt.s32 v33, $0x0;
	v18 =	vcvt.f32.s32 v21  }
0x12e: {  	v28 =	vnsel vm2, $0x0, v26;
	vm2 =	vgt.s32 v35, $0x0;
	vm5 =	vgt.s32 v37, $0x0  }
0x12f: {  	v30 =	vtrunc.f32 v30;
	v19 =	vcvt.f32.s32 v29;
	v29 =	vnsel vm3, $0x0, v33  }
0x130: {  	vm3 =	vgt.s32 v36, $0x0;
	v26 =	vnsel vm2, $0x0, v35;
	vm2 =	vgt.s32 v22, $0x0  }
0x131: {  	vm6 =	vgt.s32 v38, $0x0;
	v17 =	vcvt.f32.s32 v30;
	v30 =	vnsel vm4, $0x0, v34  }
0x132: {  	vm4 =	vgt.s32 v20, $0x0;
	v25 =	vnsel vm3, $0x0, v36;
	v22 =	vnsel vm2, $0x0, v22  }
0x133: {  	vm3 =	vgt.s32 v18, $0x0;
	v21 =	vnsel vm6, $0x0, v38;
	v23 =	vnsel vm4, $0x0, v20  }
0x134: {  	[tilespmem:v32+s17+$0x0] =	vst.idx.add.f32.msk $0xffff, v1;
	s28 =	simm.s32 $0x0;
	v20 =	vnsel vm5, $0x0, v37;
	vm4 =	vgt.s32 v19, $0x0;
	vm2 =	vgt.s32 v17, $0x0  }
.LBB2_7:
0x135: {  	s28 =	sadd.s32 $0x10, s28  }
0x136: {  	s26 =	sadd.s32 $0x800, s26;
	s29 =	sshll.u32 s28, $0x4  }
0x137: {  	s30 =	sand.u32 $0x800, s26;
	s31 =	sshll.u32 s28, $0x2;
	s29 =	sand.u32 $0x3000, s29  }
0x138: {  	v18 =	vnsel vm3, $0x0, v18;
	v19 =	vnsel vm4, $0x0, v19;
	s31 =	sand.u32 $0x380, s31;
	s29 =	sor.u32 s30, s29  }
0x139: {  	v17 =	vnsel vm2, $0x0, v17;
	v24 =	vmin.u32 v24, $0xFE;
	v27 =	vmin.u32 v27, $0xFE;
	s29 =	sor.u32 s31, s29  }
0x13a: {  	v31 =	vmin.u32 v31, $0xFE;
	v28 =	vmin.u32 v28, $0xFE;
	v29 =	vmin.u32 v29, $0xFE;
	v36 =	vld [tilespmem:s29+$0x4470]  }
0x13b: {  	v30 =	vmin.u32 v30, $0xFE;
	v26 =	vmin.u32 v26, $0xFE;
	v25 =	vmin.u32 v25, $0xFE;
	v40 =	vld [tilespmem:s29+$0x4000]  }
0x13c: {  	v32 =	vmin.u32 v23, $0xFE;
	v33 =	vmin.u32 v22, $0xFE;
	v34 =	vmin.u32 v20, $0xFE;
	v42 =	vld [tilespmem:s29+$0x4010]  }
0x13d: {  	v35 =	vmin.u32 v21, $0xFE;
	v41 =	vsel vm1, v3, v2;
	v22 =	vsub.s32 v5, v27;
	v27 =	vld [tilespmem:s29+$0x4020]  }
0x13e: {  	v37 =	vmin.u32 v18, $0xFE;
	v39 =	vmin.u32 v17, $0xFE;
	v17 =	vsub.s32 v10, v26;
	v26 =	vld [tilespmem:s29+$0x4030]  }
0x13f: {  	v38 =	vmin.u32 v19, $0xFE;
	v23 =	vsub.s32 v4, v24;
	v10 =	vsub.s32 v12, v32;
	v12 =	vld [tilespmem:s29+$0x4040]  }
0x140: {  	v24 =	vsel vm0, v3, v2;
	v21 =	vsub.s32 v6, v31;
	v5 =	vsub.s32 v14, v34;
	v14 =	vld [tilespmem:s29+$0x4050]  }
0x141: {  	v20 =	vsub.s32 v7, v28;
	v19 =	vsub.s32 v8, v29;
	v18 =	vsub.s32 v9, v30;
	v31 =	vld [tilespmem:s29+$0xC040]  }
0x142: {  	v11 =	vsub.s32 v11, v25;
	v9 =	vsub.s32 v13, v33;
	v4 =	vsub.s32 v15, v35;
	v48 =	vld [tilespmem:s29+$0xC060]  }
0x143: {  	v6 =	vsub.s32 v16, v37;
	v51 =	vld [tilespmem:s29+$0xC070];
	v8 =	vsub.f32 $0.0e+00, v36;
	v13 =	vsub.f32 $0.0e+00, v40  }
0x144: {  	v7 =	vsub.s32 v24, v38;
	v16 =	vld [tilespmem:s29+$0x4060];
	v15 =	vsub.f32 $0.0e+00, v42;
	v25 =	vsub.f32 $0.0e+00, v27  }
0x145: {  	v28 =	vld [tilespmem:s29+$0x4400];
	v26 =	vsub.f32 $0.0e+00, v26;
	v12 =	vsub.f32 $0.0e+00, v12;
	v24 =	vmul.f32 $1.442695020e+00, v8  }
0x146: {  	v27 =	vld [tilespmem:s29+$0x4070];
	v14 =	vsub.f32 $0.0e+00, v14;
	vm9 =	vgt.f32 v31, $5.019608140e-01;
	v13 =	vmul.f32 $1.442695020e+00, v13  }
0x147: {  	v31 =	vld [tilespmem:s29+$0xC440];
	vm2 =	vgt.f32 v48, $5.019608140e-01;
	v15 =	vmul.f32 $1.442695020e+00, v15;
	(erf) = vpow2.f32 v24  }
0x148: {  	vm3 =	vgt.f32 v51, $5.019608140e-01;
	v24 =	vmul.f32 $1.442695020e+00, v25;
	v25 =	vld [tilespmem:s29+$0x4410];
	(erf) = vpow2.f32 v13  }
0x149: {  	v8 =	vsub.s32 v41, v39;
	v13 =	vmul.f32 $1.442695020e+00, v26;
	v26 =	vld [tilespmem:s29+$0x4420];
	(erf) = vpow2.f32 v15  }
0x14a: {  	v12 =	vmul.f32 $1.442695020e+00, v12;
	v15 =	vsub.f32 $0.0e+00, v16;
	v16 =	vld [tilespmem:s29+$0x4430];
	(erf) = vpow2.f32 v24  }
0x14b: {  	v14 =	vmul.f32 $1.442695020e+00, v14;
	v24 =	vsub.f32 $0.0e+00, v27;
	v27 =	vld [tilespmem:s29+$0x4440];
	(erf) = vpow2.f32 v13  }
0x14c: {  	v13 =	vmul.f32 $1.442695020e+00, v15;
	v15 =	vsub.f32 $0.0e+00, v28;
	(erf) = vpow2.f32 v12  }
0x14d: {  	vm14 =	vgt.f32 v31, $5.019608140e-01;
	v28 =	vld [tilespmem:s29+$0x4450];
	v12 =	vmul.f32 $1.442695020e+00, v24;
	(erf) = vpow2.f32 v14  }
0x14e: {  	v24 =	vsub.f32 $0.0e+00, v25;
	v25 =	vld [tilespmem:s29+$0x4460];
	v26 =	vsub.f32 $0.0e+00, v26;
	(erf) = vpow2.f32 v13  }
0x14f: {  	v14 =	vld [tilespmem:s29+$0xC000];
	v29 =	vmul.f32 $1.442695020e+00, v15;
	v16 =	vsub.f32 $0.0e+00, v16;
	(erf) = vpow2.f32 v12  }
0x150: {  	v13 =	vld [tilespmem:s29+$0xC010];
	v24 =	vmul.f32 $1.442695020e+00, v24;
	v26 =	vmul.f32 $1.442695020e+00, v26;
	v27 =	vsub.f32 $0.0e+00, v27;
	v15 =	vpop (erf)  }
0x151: {  	v12 =	vld [tilespmem:s29+$0xC020];
	(erf) = vpow2.f32 v29;
	v16 =	vmul.f32 $1.442695020e+00, v16;
	v15 =	vadd.f32 $1.000000000e+00, v15;
	v30 =	vpop (erf)  }
0x152: {  	v29 =	vld [tilespmem:s29+$0xC030];
	v28 =	vsub.f32 $0.0e+00, v28;
	v27 =	vmul.f32 $1.442695020e+00, v27;
	v46 =	vpop (erf);
	(erf) = vpow2.f32 v24  }
0x153: {  	v25 =	vsub.f32 $0.0e+00, v25;
	v24 =	vadd.f32 $1.000000000e+00, v30;
	v47 =	vpop (erf);
	(erf) = vrcp.f32 v15  }
0x154: {  	[tilespmem:v19+s17+$0x0] =	vst.idx.add.f32.msk $0xffff, v1;
	v28 =	vmul.f32 $1.442695020e+00, v28;
	vm5 =	vgt.f32 v14, $5.019608140e-01;
	v49 =	vpop (erf);
	(erf) = vpow2.f32 v26  }
0x155: {  	v30 =	vld [tilespmem:s29+$0xC050];
	v15 =	vadd.f32 $1.000000000e+00, v46;
	v25 =	vmul.f32 $1.442695020e+00, v25;
	v52 =	vpop (erf);
	(erf) = vpow2.f32 v16  }
0x156: {  	vm6 =	vgt.f32 v13, $5.019608140e-01;
	v26 =	vadd.f32 $1.000000000e+00, v47;
	v16 =	vld [tilespmem:s29+$0xC400];
	v53 =	vpop (erf);
	(erf) = vpow2.f32 v27  }
0x157: {  	vm7 =	vgt.f32 v12, $5.019608140e-01;
	vm8 =	vgt.f32 v29, $5.019608140e-01;
	v29 =	vld [tilespmem:s29+$0xC430];
	v54 =	vpop (erf);
	(erf) = vpow2.f32 v28  }
0x158: {  	v50 =	vadd.f32 $1.000000000e+00, v49;
	[tilespmem:v4+s17+$0x0] =	vst.idx.add.f32.msk $0xffff, v1;
	v4 =	vsel vm5, v3, v2;
	v55 =	vpop (erf);
	(erf) = vpow2.f32 v25  }
0x159: {  	[tilespmem:v6+s17+$0x0] =	vst.idx.add.f32.msk $0xffff, v1;
	v6 =	vsel vm7, v3, v2;
	v14 =	vadd.f32 $1.000000000e+00, v52;
	(erf) = vrcp.f32 v24  }
0x15a: {  	v13 =	vadd.f32 $1.000000000e+00, v53;
	vm10 =	vgt.f32 v30, $5.019608140e-01;
	v30 =	vld [tilespmem:s29+$0xC460];
	v24 =	vpop (erf);
	(erf) = vrcp.f32 v15  }
0x15b: {  	[tilespmem:v8+s17+$0x0] =	vst.idx.add.f32.msk $0xffff, v1;
	v8 =	vsel vm9, v3, v2;
	v12 =	vadd.f32 $1.000000000e+00, v54;
	(erf) = vrcp.f32 v26;
	v26 =	vpop (erf)  }
0x15c: {  	[tilespmem:v11+s17+$0x0] =	vst.idx.add.f32.msk $0xffff, v1;
	v25 =	vadd.f32 $1.000000000e+00, v55;
	v24 =	vadd.f32 $1.000000000e+00, v24;
	(erf) = vrcp.f32 v50;
	v56 =	vpop (erf)  }
0x15d: {  	[tilespmem:v23+s17+$0x0] =	vst.idx.add.f32.msk $0xffff, v1;
	vm4 =	vgt.f32 v16, $5.019608140e-01;
	v16 =	vmul.f32 $2.550000000e+02, v56;
	(erf) = vrcp.f32 v14;
	v14 =	vpop (erf)  }
0x15e: {  	v23 =	vld [tilespmem:s29+$0xC470];
	vm13 =	vgt.f32 v29, $5.019608140e-01;
	v26 =	vadd.f32 $1.000000000e+00, v26;
	(erf) = vrcp.f32 v13;
	v13 =	vpop (erf)  }
0x15f: {  	[tilespmem:v22+s17+$0x0] =	vst.idx.add.f32.msk $0xffff, v1;
	v14 =	vadd.f32 $1.000000000e+00, v14;
	v16 =	vtrunc.f32 v16;
	(erf) = vrcp.f32 v12;
	v12 =	vpop (erf)  }
0x160: {  	v15 =	vld [tilespmem:s29+$0xC450];
	v13 =	vadd.f32 $1.000000000e+00, v13;
	v16 =	vcvt.f32.s32 v16;
	(erf) = vrcp.f32 v25;
	v22 =	vpop (erf)  }
0x161: {  	[tilespmem:v21+s17+$0x0] =	vst.idx.add.f32.msk $0xffff, v1;
	v12 =	vadd.f32 $1.000000000e+00, v12;
	v21 =	vadd.f32 $1.000000000e+00, v22;
	(erf) = vrcp.f32 v24;
	v22 =	vpop (erf)  }
0x162: {  	[tilespmem:v20+s17+$0x0] =	vst.idx.add.f32.msk $0xffff, v1;
	v20 =	vadd.f32 $1.000000000e+00, v22;
	vm0 =	vgt.s32 v16, $0x0;
	v22 =	vpop (erf);
	(erf) = vrcp.f32 v26  }
0x163: {  	[tilespmem:v18+s17+$0x0] =	vst.idx.add.f32.msk $0xffff, v1;
	v24 =	vnsel vm0, $0x0, v16;
	vm0 =	vgt.f32 v23, $5.019608140e-01;
	v19 =	vpop (erf);
	(erf) = vrcp.f32 v14  }
0x164: {  	[tilespmem:v10+s17+$0x0] =	vst.idx.add.f32.msk $0xffff, v1;
	v23 =	vsel vm0, v3, v2;
	v18 =	vpop (erf);
	(erf) = vrcp.f32 v13;
	v13 =	vmul.f32 $2.550000000e+02, v22  }
0x165: {  	v27 =	vld [tilespmem:s29+$0xC410];
	v11 =	vmul.f32 $2.550000000e+02, v19;
	vm0 =	vgt.f32 v15, $5.019608140e-01;
	v16 =	vpop (erf);
	(erf) = vrcp.f32 v12  }
0x166: {  	[tilespmem:v9+s17+$0x0] =	vst.idx.add.f32.msk $0xffff, v1;
	v10 =	vmul.f32 $2.550000000e+02, v18;
	v18 =	vimm.s32 $0x0;
	v12 =	vpop (erf);
	(erf) = vrcp.f32 v21  }
0x167: {  	v28 =	vld [tilespmem:s29+$0xC420];
	v9 =	vmul.f32 $2.550000000e+02, v16;
	v16 =	vsel vm0, $0xFFFFFFFF, v18;
	v18 =	vtrunc.f32 v11  }
0x168: {  	[tilespmem:v17+s17+$0x0] =	vst.idx.add.f32.msk $0xffff, v1;
	v14 =	vmin.u32 v24, $0xFE;
	v17 =	vpop (erf);
	(erf) = vrcp.f32 v20;
	v12 =	vmul.f32 $2.550000000e+02, v12  }
0x169: {  	v14 =	vsub.s32 v23, v14;
	[tilespmem:$0x1FFE0] =	vst v16;
	v19 =	vtrunc.f32 v10;
	v16 =	vmul.f32 $2.550000000e+02, v17  }
0x16a: {  	[tilespmem:v7+s17+$0x0] =	vst.idx.add.f32.msk $0xffff, v1;
	v7 =	vsel vm8, v3, v2;
	v15 =	vpop (erf);
	v17 =	vtrunc.f32 v13;
	v21 =	vtrunc.f32 v9  }
0x16b: {  	vm11 =	vgt.f32 v27, $5.019608140e-01;
	v58 =	vcvt.f32.s32 v19;
	v15 =	vmul.f32 $2.550000000e+02, v15  }
0x16c: {  	[tilespmem:v5+s17+$0x0] =	vst.idx.add.f32.msk $0xffff, v1;
	vm12 =	vgt.f32 v28, $5.019608140e-01;
	v5 =	vpop (erf);
	v23 =	vtrunc.f32 v12;
	v57 =	vcvt.f32.s32 v17  }
0x16d: {  	vm1 =	vgt.f32 v30, $5.019608140e-01;
	v21 =	vcvt.f32.s32 v21;
	v13 =	vmul.f32 $2.550000000e+02, v5  }
0x16e: {  	[tilespmem:v14+s17+$0x0] =	vst.idx.add.f32.msk $0xffff, v1;
	v14 =	vpop (erf);
	v5 =	vsel vm6, v3, v2;
	v25 =	vtrunc.f32 v16;
	v23 =	vcvt.f32.s32 v23  }
0x16f: {  	vm7 =	vgt.s32 v58, $0x0;
	v14 =	vmul.f32 $2.550000000e+02, v14;
	v26 =	vtrunc.f32 v15  }
0x170: {  	v11 =	vpop (erf);
	vm5 =	vgt.s32 v57, $0x0;
	v25 =	vcvt.f32.s32 v25;
	vm8 =	vgt.s32 v21, $0x0  }
0x171: {  	v20 =	vmul.f32 $2.550000000e+02, v11;
	v10 =	vpop (erf);
	v27 =	vtrunc.f32 v13;
	v13 =	vsel vm11, v3, v2  }
0x172: {  	v26 =	vcvt.f32.s32 v26;
	vm9 =	vgt.s32 v23, $0x0;
	v22 =	vmul.f32 $2.550000000e+02, v10  }
0x173: {  	v9 =	vpop (erf);
	v29 =	vtrunc.f32 v14;
	v14 =	vsel vm12, v3, v2;
	v59 =	vcvt.f32.s32 v27  }
0x174: {  	v24 =	vmul.f32 $2.550000000e+02, v9;
	v9 =	vsel vm10, v3, v2;
	v20 =	vtrunc.f32 v20  }
0x175: {  	v10 =	vpop (erf);
	v60 =	vcvt.f32.s32 v29;
	vm10 =	vgt.s32 v25, $0x0;
	vm11 =	vgt.s32 v26, $0x0  }
0x176: {  	v29 =	vnsel vm9, $0x0, v23;
	v16 =	vmul.f32 $2.550000000e+02, v10;
	v10 =	vsel vm2, v3, v2  }
0x177: {  	v11 =	vpop (erf);
	v22 =	vtrunc.f32 v22;
	v20 =	vcvt.f32.s32 v20;
	vm12 =	vgt.s32 v59, $0x0  }
0x178: {  	v26 =	vnsel vm11, $0x0, v26;
	v15 =	vmul.f32 $2.550000000e+02, v11;
	v12 =	vpop (erf);
	v24 =	vtrunc.f32 v24  }
0x179: {  	v11 =	vsel vm3, v3, v2;
	v61 =	vcvt.f32.s32 v22;
	v28 =	vmul.f32 $2.550000000e+02, v12  }
0x17a: {  	v12 =	vsel vm4, v3, v2;
	v30 =	vtrunc.f32 v16;
	v16 =	vsel vm14, v3, v2  }
0x17b: {  	v62 =	vcvt.f32.s32 v24;
	vm14 =	vgt.s32 v20, $0x0;
	v24 =	vnsel vm5, $0x0, v57  }
0x17c: {  	v31 =	vtrunc.f32 v15;
	v15 =	vsel vm13, v3, v2;
	vm13 =	vgt.s32 v60, $0x0  }
0x17d: {  	vm15 =	vgt.s32 v61, $0x0;
	v17 =	vtrunc.f32 v28;
	v28 =	vcvt.f32.s32 v18  }
0x17e: {  	p1 =	slt.u32 s28, $0x3F0;
	v63 =	vld [tilespmem:$0x1FFE0];
	v22 =	vnsel vm14, $0x0, v20;
	v18 =	vcvt.f32.s32 v30;
	v19 =	vcvt.f32.s32 v31  }
.Ltmp4:
0x17f: {  	vm0 =	vgt.s32 v62, $0x0;
	v31 =	vnsel vm7, $0x0, v58;
	v30 =	vnsel vm10, $0x0, v25;
	(pc) =	sbr.rel @p1 .LBB2_7-.Ltmp4, $4  }
0x180: {  	v25 =	vnsel vm12, $0x0, v59;
	v23 =	vnsel vm13, $0x0, v60;
	v17 =	vcvt.f32.s32 v17  }
0x181: {  	v20 =	vnsel vm15, $0x0, v61;
	vm6 =	vgt.s32 v28, $0x0;
	vm3 =	vgt.s32 v18, $0x0  }
0x182: {  	vm4 =	vgt.s32 v19, $0x0;
	vm2 =	vgt.s32 v17, $0x0;
	v27 =	vnsel vm6, $0x0, v28  }
0x183: {  	v28 =	vnsel vm8, $0x0, v21;
	v21 =	vnsel vm0, $0x0, v62;
	vm0 =	vnez.u8 v63  }
0x184: {  	v24 =	vmin.u32 v24, $0xFE  }
0x185: {  	v27 =	vmin.u32 v27, $0xFE;
	v4 =	vsub.s32 v4, v24  }
0x186: {  	v51 =	vmin.u32 v31, $0xFE;
	v5 =	vsub.s32 v5, v27  }
0x187: {  	v52 =	vmin.u32 v28, $0xFE;
	v6 =	vsub.s32 v6, v51  }
0x188: {  	v53 =	vmin.u32 v29, $0xFE;
	v7 =	vsub.s32 v7, v52  }
0x189: {  	v54 =	vmin.u32 v30, $0xFE;
	v8 =	vsub.s32 v8, v53  }
0x18a: {  	v55 =	vmin.u32 v26, $0xFE;
	v9 =	vsub.s32 v9, v54;
	[tilespmem:v4+s17+$0x0] =	vst.idx.add.f32.msk $0xffff, v1  }
0x18b: {  	v56 =	vmin.u32 v22, $0xFE;
	v10 =	vsub.s32 v10, v55;
	[tilespmem:v5+s17+$0x0] =	vst.idx.add.f32.msk $0xffff, v1  }
0x18c: {  	v4 =	vmin.u32 v25, $0xFE;
	[tilespmem:v6+s17+$0x0] =	vst.idx.add.f32.msk $0xffff, v1;
	v6 =	vsub.s32 v13, v56  }
0x18d: {  	v5 =	vmin.u32 v23, $0xFE;
	[tilespmem:v7+s17+$0x0] =	vst.idx.add.f32.msk $0xffff, v1;
	v4 =	vsub.s32 v11, v4  }
0x18e: {  	v57 =	vnsel vm3, $0x0, v18;
	v58 =	vmin.u32 v20, $0xFE;
	[tilespmem:v8+s17+$0x0] =	vst.idx.add.f32.msk $0xffff, v1;
	v5 =	vsub.s32 v12, v5  }
0x18f: {  	v59 =	vnsel vm4, $0x0, v19;
	v60 =	vmin.u32 v21, $0xFE;
	[tilespmem:v9+s17+$0x0] =	vst.idx.add.f32.msk $0xffff, v1;
	v11 =	vsub.s32 v14, v58  }
0x190: {  	v61 =	vnsel vm2, $0x0, v17;
	v7 =	vmin.u32 v57, $0xFE;
	[tilespmem:v10+s17+$0x0] =	vst.idx.add.f32.msk $0xffff, v1;
	v12 =	vsub.s32 v15, v60  }
0x191: {  	v62 =	vsel vm0, v3, v2;
	v8 =	vmin.u32 v59, $0xFE;
	v7 =	vsub.s32 v16, v7;
	[tilespmem:v6+s17+$0x0] =	vst.idx.add.f32.msk $0xffff, v1  }
0x192: {  	v63 =	vsel vm1, v3, v2;
	v8 =	vsub.s32 v62, v8;
	[tilespmem:v4+s17+$0x0] =	vst.idx.add.f32.msk $0xffff, v1;
	v4 =	vmin.u32 v61, $0xFE  }
0x193: {  	[tilespmem:v5+s17+$0x0] =	vst.idx.add.f32.msk $0xffff, v1;
	v4 =	vsub.s32 v63, v4  }
.Ltmp5:
0x194: {  	[tilespmem:v11+s17+$0x0] =	vst.idx.add.f32.msk $0xffff, v1;
	(pc) =	sbr.rel @p0 .LBB2_10-.Ltmp5, $4  }
0x195: {  	[tilespmem:v12+s17+$0x0] =	vst.idx.add.f32.msk $0xffff, v1  }
0x196: {  	[tilespmem:v7+s17+$0x0] =	vst.idx.add.f32.msk $0xffff, v1  }
0x197: {  	[tilespmem:v8+s17+$0x0] =	vst.idx.add.f32.msk $0xffff, v1  }
0x198: {  	[tilespmem:v4+s17+$0x0] =	vst.idx.add.f32.msk $0xffff, v1  }
0x199: {  	s25 =	sadd.s32 s25, s10  }
.Ltmp6:
0x19a: {  	s25 =	sshrl.u32 s25, $0x3;
	(pc) =	sbr.rel .LBB2_4-.Ltmp6, $4  }
0x19b: {  	s26 =	sadd.s32 s1, s25  }
0x19c: {  	[tilespmem:s14], [sflag:$0x2] =	stream.linear.gather [hbm4b:s26+s4], $0x4000, $0x38;
	[tilespmem:$0x12000] =	vst v63  }
0x19d: {  	s24 =	sadd.s32 $0x1, s24;
	s25 =	sadd.s32 s2, s25  }
0x19e: {  	[tilespmem:s15], [sflag:$0x2] =	stream.linear.gather [hbm4b:s25+s4], $0x4000, $0x38;
	[tilespmem:$0x12000] =	vst v63  }
.LBB2_11:
0x19f: {  	_ =	sfence.sel $0x180000  }
0x1a0: {  	[bflag:$0x0] =	sbarrier.arrive $0xFFFF  }
0x1a1: {  	p0 =	sne.s32 s3, $0x0;
	_ =	strace $0x90000047  }
0x1a2: {  	s0 =	sadd.s32 @!p0 $0x100000, s0;
	[bflag:$0x2] =	sbarrier.arrive $0xFFFF  }
0x1a3: {  	[sflag:s0] =	ssyncadd.tile.s32 @!p0 $0x1;
	_ =	shalt  }
.Lfunc_end2:
_tile_overlayer_lowered:
.L_overlay_start_2:
0x1a4: {  	(tag) =	ssettag $0x2  }
0x1a5: {  	s0 =	rddreg [dreg:$0x0];
	s2 =	stileid.u32  }
0x1a6: {  	s1 =	rddreg [dreg:$0x1];
	p0 =	sne.s32 s2, $0x0  }
0x1a7: {  	s3 =	rddreg [dreg:$0x2];
	[bflag:$0x3] =	sbarrier.arrive $0xFFFF;
	s2 =	simm.s32 @!p0 $0x1C03  }
0x1a8: {  	[timem:s3], [sflag:s2] =	dma.local @!p0 [hbm:s0], s1  }
0x1a9: {  	s0 =	simm.s32 @!p0 $0x3  }
0x1aa: {  	_ =	swait.ge @!p0 [sflag:s0], s1  }
0x1ab: {  	s1 =	ssub.s32 @!p0 $0x0, s1;
	[sflag:s0] =	ssyncset.done @!p0 $0x0  }
0x1ac: {  	[sflag:s0] =	ssyncadd.s32 @!p0 s1  }
0x1ad: {  	[bflag:$0x3] =	sbarrier.arrive $0xFFFF  }
0x1ae: {  	_ =	shalt  }

</sc_bundles>
